<compile_context>
chip_gen: v7x
topology: tpu7x:2x2x1
jax: 0.10.2.dev20260603
libtpu: 0.0.44.dev20260713+nightly
codegen_flags: <defaults>
</compile_context>

<pallas_src>
import functools

import jax
import jax.numpy as jnp
from jax import lax
from jax.experimental import pallas as pl
from jax.experimental.pallas import tpu as pltpu
from jax.experimental.pallas import tpu_sc as plsc

BETA = 0.25
K = 1024
D = 64
N = 16384

BN = 4096

NC = 2
NS = 16
NW = NC * NS
GCH = 128


def _k1_body(zb_ref, cb_ref, idx_ref, loss_ref, b2_ref, cb2_ref):
    i = pl.program_id(0)
    a = zb_ref[...]
    cb = cb_ref[...]
    a2 = jnp.sum(a * a, axis=1, keepdims=True)

    @pl.when(i == 0)
    def _b2():
        b2_ref[...] = jnp.sum(cb * cb, axis=1)[None, :]
        cb2_ref[...] = cb + cb

    b2 = b2_ref[...]
    s2 = lax.dot_general(a, cb2_ref[...], (((1,), (1,)), ((), ())),
                         preferred_element_type=jnp.float32)
    d2 = a2 + b2 - s2
    dist = jnp.sqrt(jnp.maximum(d2, 0.0))
    dmin = jnp.min(dist, axis=1, keepdims=True)
    lanes = lax.broadcasted_iota(jnp.int32, (BN, K), 1)
    cand = jnp.where(dist == dmin, lanes, K)
    idx_ref[...] = jnp.min(cand, axis=1, keepdims=True)
    part = jnp.sum(dmin * dmin, axis=0, keepdims=True)

    @pl.when(i == 0)
    def _init():
        loss_ref[...] = part

    @pl.when(i > 0)
    def _acc():
        loss_ref[...] += part


def _k1_call(z_flat, codebook, interpret=False):
    grid = N // BN
    base = 0
    return pl.pallas_call(
        _k1_body,
        interpret=interpret,
        grid=(grid,),
        in_specs=[
            pl.BlockSpec((BN, D), lambda i: (i + base, 0)),
            pl.BlockSpec((K, D), lambda i: (0, 0)),
        ],
        out_specs=[
            pl.BlockSpec((BN, 1), lambda i: (i, 0)),
            pl.BlockSpec((1, 1), lambda i: (0, 0)),
        ],
        out_shape=[
            jax.ShapeDtypeStruct((N, 1), jnp.int32),
            jax.ShapeDtypeStruct((1, 1), jnp.float32),
        ],
        scratch_shapes=[pltpu.VMEM((1, K), jnp.float32),
                        pltpu.VMEM((K, D), jnp.float32)],
    )(z_flat, codebook)


BPW = N // NW
CPW = BPW // GCH


@functools.cache
def _k2_build():
    @functools.partial(
        pl.kernel,
        mesh=plsc.VectorSubcoreMesh(core_axis_name="c", subcore_axis_name="s"),
        compiler_params=pltpu.CompilerParams(use_tc_tiling_on_sc=False,
                                             needs_layout_passes=False),
        out_type=[
            jax.ShapeDtypeStruct((N, D), jnp.float32),
            jax.ShapeDtypeStruct((NW, K), jnp.int32),
        ],
        scratch_types=[
            pltpu.VMEM((CPW, GCH), jnp.int32),
            pltpu.VMEM((BPW, D), jnp.float32),
            pltpu.VMEM((K,), jnp.int32),
            pltpu.SemaphoreType.DMA,
        ],
    )
    def _k2(cb_hbm, idx_hbm, out_hbm, hist_hbm, idx_v, rows_v, hist_v, sem):
        wid = lax.axis_index("s") * NC + lax.axis_index("c")
        pltpu.sync_copy(idx_hbm.at[pl.ds(wid * CPW, CPW)], idx_v)
        copies = [
            pltpu.async_copy(cb_hbm.at[idx_v.at[j]],
                             rows_v.at[pl.ds(j * GCH, GCH)], sem)
            for j in range(CPW)
        ]
        zeros = jnp.zeros((16,), jnp.int32)
        ones = jnp.ones((16,), jnp.int32)
        for t in range(K // 16):
            hist_v[pl.ds(t * 16, 16)] = zeros
        for j in range(CPW):
            for t in range(GCH // 16):
                v = idx_v[j, pl.ds(t * 16, 16)]
                plsc.addupdate_scatter(hist_v, [v], ones)
        pltpu.sync_copy(hist_v, hist_hbm.at[wid])
        for c in copies:
            c.wait()
        pltpu.sync_copy(rows_v, out_hbm.at[pl.ds(wid * BPW, BPW)])

    return _k2


def kernel(z, codebook):
    z_t = jnp.moveaxis(z, 1, -1)
    z_shape = z_t.shape
    z_flat = z_t.reshape(-1, D)

    idx2d, loss_sum = _k1_call(z_flat, codebook)
    nearest_embs = idx2d.reshape(-1)

    z_q, hists = _k2_build()(codebook, nearest_embs.reshape(N // GCH, GCH))
    counts = jnp.sum(hists, axis=0)

    m = loss_sum[0, 0] / jnp.float32(N * D)
    loss = m + BETA * m

    e_mean = counts.astype(jnp.float32) / nearest_embs.size
    perplexity = jnp.exp(-jnp.sum(e_mean * jnp.log(e_mean + 1e-10)))

    z_q_out = jnp.moveaxis(z_q.reshape(z_shape), -1, 1)
    return (z_q_out, loss, perplexity, nearest_embs, z_flat)

# --- scband reference (transcript-rebuilt; emitter-appended) ---
"""Pipeline reference for scband-vector-quantizer-85684597555500 (READ-ONLY COPY).

The authoritative reference and input builder live on the scoring server;
editing this copy changes nothing except your own understanding.
"""

import jax, jax.numpy as jnp
import numpy as np

BETA = 0.25
K = 1024
D = 64

def setup_inputs(seed: int = 0) -> dict:
    key = jax.random.key(seed)
    k1, k2 = jax.random.split(key)
    z = jax.random.normal(k1, (16, 64, 32, 32), dtype=jnp.float32)
    codebook = jax.random.uniform(k2, (K, D), dtype=jnp.float32, minval=-1.0 / K, maxval=1.0 / K)
    return {"z": z, "codebook": codebook}

def _cdist(a, b):
    # Euclidean distance matrix, matching torch.cdist(p=2)
    a2 = jnp.sum(a * a, axis=1, keepdims=True)          # [N, 1]
    b2 = jnp.sum(b * b, axis=1)[None, :]                 # [1, K]
    d2 = a2 + b2 - 2.0 * (a @ b.T)
    return jnp.sqrt(jnp.maximum(d2, 0.0))

def reference(z, codebook):
    # z: [B, C, H, W] -> [B, H, W, C]
    z_t = jnp.moveaxis(z, 1, -1)
    z_shape = z_t.shape
    z_flat = z_t.reshape(-1, D)                          # [N, D]
    dist = _cdist(z_flat, codebook)                      # [N, K]
    nearest_embs = jnp.argmin(dist, axis=1)              # [N]
    z_q = jnp.take(codebook, nearest_embs, axis=0).reshape(z_shape)
    loss = jnp.mean((jax.lax.stop_gradient(z_q) - z_t) ** 2) + BETA * jnp.mean((z_q - jax.lax.stop_gradient(z_t)) ** 2)
    z_q_st = z_t + jax.lax.stop_gradient(z_q - z_t)
    z_q_out = jnp.moveaxis(z_q_st, -1, 1)
    counts = jnp.bincount(nearest_embs, minlength=K, length=K)
    e_mean = counts.astype(jnp.float32) / nearest_embs.size
    perplexity = jnp.exp(-jnp.sum(e_mean * jnp.log(e_mean + 1e-10)))
    return (z_q_out, loss, perplexity, nearest_embs, z_flat)

if __name__ == "__main__":
    import jax
    _d = setup_inputs()
    print(jax.jit(kernel)(*tuple(_d.values())))

</pallas_src>

<mosaic_0001>
#map = affine_map<(d0, d1) -> (0, 0)>
module attributes {stable_mosaic.version = 14 : i64} {
  func.func @_k2(%arg0: i32, %arg1: i32, %arg2: memref<1024x64xf32, #tpu.memory_space<hbm>>, %arg3: memref<128x128xi32, #tpu.memory_space<hbm>>, %arg4: memref<16384x64xf32, #tpu.memory_space<hbm>>, %arg5: memref<32x1024xi32, #tpu.memory_space<hbm>>, %arg6: memref<4x128xi32, #tpu.memory_space<vmem>>, %arg7: memref<512x64xf32, #tpu.memory_space<vmem>>, %arg8: memref<1024xi32, #tpu.memory_space<vmem>>, %arg9: memref<!tpu.dma_semaphore, #tpu.memory_space<semaphore_mem>>) attributes {dimension_semantics = [#tpu.dimension_semantics<core_parallel>, #tpu.dimension_semantics<subcore_parallel>], iteration_bounds = array<i64: 2, 16>, scalar_prefetch = 0 : i64, scratch_operands = 4 : i64, tpu.core_type = #tpu.core_type<sc_vector_subcore>, window_params = [{transform_indices = #map}, {transform_indices = #map}, {transform_indices = #map}, {transform_indices = #map}]} {
    %mul3A = arith.constant 2 : i32
    %mul3A_0 = arith.muli %arg1, %mul3A : i32
    %add3A = arith.addi %mul3A_0, %arg0 : i32
    %mul3A_1 = arith.constant 4 : i32
    %mul3A_2 = arith.muli %add3A, %mul3A_1 : i32
    "tpu.region"() ({
      %run_scoped3A = tpu.sem_alloc : memref<!tpu.dma_semaphore, #tpu.memory_space<semaphore_mem>>
      %dma_start3A_340 = arith.constant 0 : i32
      %dma_start3A_341 = tpu.memref_slice %arg3[%mul3A_2, %dma_start3A_340] : memref<128x128xi32, #tpu.memory_space<hbm>> -> memref<4x128xi32, #tpu.memory_space<hbm>>
      %dma_start3A_342 = arith.constant 0 : i32
      %dma_start3A_343 = tpu.memref_slice %arg3[%mul3A_2, %dma_start3A_342] : memref<128x128xi32, #tpu.memory_space<hbm>> -> memref<4x128xi32, #tpu.memory_space<hbm>>
      tpu.enqueue_dma source(%dma_start3A_343 : memref<4x128xi32, #tpu.memory_space<hbm>>) target(%arg6 : memref<4x128xi32, #tpu.memory_space<vmem>>) target_semaphore(%run_scoped3A : memref<!tpu.dma_semaphore, #tpu.memory_space<semaphore_mem>>)
      %dma_wait3A_344 = arith.constant 0 : i32
      %dma_wait3A_345 = tpu.memref_slice %arg3[%mul3A_2, %dma_wait3A_344] : memref<128x128xi32, #tpu.memory_space<hbm>> -> memref<4x128xi32, #tpu.memory_space<hbm>>
      %dma_wait3A_346 = arith.constant 0 : i32
      %dma_wait3A_347 = tpu.memref_slice %arg3[%mul3A_2, %dma_wait3A_346] : memref<128x128xi32, #tpu.memory_space<hbm>> -> memref<4x128xi32, #tpu.memory_space<hbm>>
      tpu.wait_dma2 semaphore(%run_scoped3A : memref<!tpu.dma_semaphore, #tpu.memory_space<semaphore_mem>>) src(%dma_wait3A_347 : memref<4x128xi32, #tpu.memory_space<hbm>>) dst(%arg6 : memref<4x128xi32, #tpu.memory_space<vmem>>)
      tpu.yield
    }) : () -> ()
    %dma_start3A = arith.constant 0 : i32
    %dma_start3A_3 = arith.constant 0 : i32
    %dma_start3A_4 = arith.constant 0 : i32
    %dma_start3A_5 = tpu.memref_slice %arg7[%dma_start3A_3, %dma_start3A_4] : memref<512x64xf32, #tpu.memory_space<vmem>> -> memref<128x64xf32, #tpu.memory_space<vmem>>
    %dma_start3A_6 = arith.constant 0 : i32
    %dma_start3A_7 = tpu.memref_slice %arg6[%dma_start3A, %dma_start3A_6] : memref<4x128xi32, #tpu.memory_space<vmem>> -> memref<1x128xi32, #tpu.memory_space<vmem>>
    %dma_start3A_8 = tpu.memref_squeeze %dma_start3A_7 : memref<1x128xi32, #tpu.memory_space<vmem>> -> memref<128xi32, #tpu.memory_space<vmem>>
    %dma_start3A_9 = arith.constant 0 : i32
    %dma_start3A_10 = arith.constant 0 : i32
    %dma_start3A_11 = tpu.memref_slice %arg2[%dma_start3A_9, %dma_start3A_10] : memref<1024x64xf32, #tpu.memory_space<hbm>> -> memref<1024x64xf32, #tpu.memory_space<hbm>>
    tpu.enqueue_indirect_dma source(%dma_start3A_11 : memref<1024x64xf32, #tpu.memory_space<hbm>>) target(%dma_start3A_5 : memref<128x64xf32, #tpu.memory_space<vmem>>) offsets(%dma_start3A_8 : memref<128xi32, #tpu.memory_space<vmem>>) semaphore(%arg9 : memref<!tpu.dma_semaphore, #tpu.memory_space<semaphore_mem>>)
    %dma_start3A_12 = arith.constant 1 : i32
    %dma_start3A_13 = arith.constant 128 : i32
    %dma_start3A_14 = arith.constant 0 : i32
    %dma_start3A_15 = tpu.memref_slice %arg7[%dma_start3A_13, %dma_start3A_14] : memref<512x64xf32, #tpu.memory_space<vmem>> -> memref<128x64xf32, #tpu.memory_space<vmem>>
    %dma_start3A_16 = arith.constant 0 : i32
    %dma_start3A_17 = tpu.memref_slice %arg6[%dma_start3A_12, %dma_start3A_16] : memref<4x128xi32, #tpu.memory_space<vmem>> -> memref<1x128xi32, #tpu.memory_space<vmem>>
    %dma_start3A_18 = tpu.memref_squeeze %dma_start3A_17 : memref<1x128xi32, #tpu.memory_space<vmem>> -> memref<128xi32, #tpu.memory_space<vmem>>
    %dma_start3A_19 = arith.constant 0 : i32
    %dma_start3A_20 = arith.constant 0 : i32
    %dma_start3A_21 = tpu.memref_slice %arg2[%dma_start3A_19, %dma_start3A_20] : memref<1024x64xf32, #tpu.memory_space<hbm>> -> memref<1024x64xf32, #tpu.memory_space<hbm>>
    tpu.enqueue_indirect_dma source(%dma_start3A_21 : memref<1024x64xf32, #tpu.memory_space<hbm>>) target(%dma_start3A_15 : memref<128x64xf32, #tpu.memory_space<vmem>>) offsets(%dma_start3A_18 : memref<128xi32, #tpu.memory_space<vmem>>) semaphore(%arg9 : memref<!tpu.dma_semaphore, #tpu.memory_space<semaphore_mem>>)
    %dma_start3A_22 = arith.constant 2 : i32
    %dma_start3A_23 = arith.constant 256 : i32
    %dma_start3A_24 = arith.constant 0 : i32
    %dma_start3A_25 = tpu.memref_slice %arg7[%dma_start3A_23, %dma_start3A_24] : memref<512x64xf32, #tpu.memory_space<vmem>> -> memref<128x64xf32, #tpu.memory_space<vmem>>
    %dma_start3A_26 = arith.constant 0 : i32
    %dma_start3A_27 = tpu.memref_slice %arg6[%dma_start3A_22, %dma_start3A_26] : memref<4x128xi32, #tpu.memory_space<vmem>> -> memref<1x128xi32, #tpu.memory_space<vmem>>
    %dma_start3A_28 = tpu.memref_squeeze %dma_start3A_27 : memref<1x128xi32, #tpu.memory_space<vmem>> -> memref<128xi32, #tpu.memory_space<vmem>>
    %dma_start3A_29 = arith.constant 0 : i32
    %dma_start3A_30 = arith.constant 0 : i32
    %dma_start3A_31 = tpu.memref_slice %arg2[%dma_start3A_29, %dma_start3A_30] : memref<1024x64xf32, #tpu.memory_space<hbm>> -> memref<1024x64xf32, #tpu.memory_space<hbm>>
    tpu.enqueue_indirect_dma source(%dma_start3A_31 : memref<1024x64xf32, #tpu.memory_space<hbm>>) target(%dma_start3A_25 : memref<128x64xf32, #tpu.memory_space<vmem>>) offsets(%dma_start3A_28 : memref<128xi32, #tpu.memory_space<vmem>>) semaphore(%arg9 : memref<!tpu.dma_semaphore, #tpu.memory_space<semaphore_mem>>)
    %dma_start3A_32 = arith.constant 3 : i32
    %dma_start3A_33 = arith.constant 384 : i32
    %dma_start3A_34 = arith.constant 0 : i32
    %dma_start3A_35 = tpu.memref_slice %arg7[%dma_start3A_33, %dma_start3A_34] : memref<512x64xf32, #tpu.memory_space<vmem>> -> memref<128x64xf32, #tpu.memory_space<vmem>>
    %dma_start3A_36 = arith.constant 0 : i32
    %dma_start3A_37 = tpu.memref_slice %arg6[%dma_start3A_32, %dma_start3A_36] : memref<4x128xi32, #tpu.memory_space<vmem>> -> memref<1x128xi32, #tpu.memory_space<vmem>>
    %dma_start3A_38 = tpu.memref_squeeze %dma_start3A_37 : memref<1x128xi32, #tpu.memory_space<vmem>> -> memref<128xi32, #tpu.memory_space<vmem>>
    %dma_start3A_39 = arith.constant 0 : i32
    %dma_start3A_40 = arith.constant 0 : i32
    %dma_start3A_41 = tpu.memref_slice %arg2[%dma_start3A_39, %dma_start3A_40] : memref<1024x64xf32, #tpu.memory_space<hbm>> -> memref<1024x64xf32, #tpu.memory_space<hbm>>
    tpu.enqueue_indirect_dma source(%dma_start3A_41 : memref<1024x64xf32, #tpu.memory_space<hbm>>) target(%dma_start3A_35 : memref<128x64xf32, #tpu.memory_space<vmem>>) offsets(%dma_start3A_38 : memref<128xi32, #tpu.memory_space<vmem>>) semaphore(%arg9 : memref<!tpu.dma_semaphore, #tpu.memory_space<semaphore_mem>>)
    %broadcast_in_dim3A = arith.constant 0 : i32
    %broadcast_in_dim3A_42 = vector.broadcast %broadcast_in_dim3A : i32 to vector<16xi32>
    %broadcast_in_dim3A_43 = arith.constant 1 : i32
    %broadcast_in_dim3A_44 = vector.broadcast %broadcast_in_dim3A_43 : i32 to vector<16xi32>
    %swap3A = arith.constant 0 : index
    %swap3A_45 = tpu.vector_load %arg8[%swap3A] {strides = array<i32>} : memref<1024xi32, #tpu.memory_space<vmem>>, vector<16xi32>,
    tpu.vector_store %arg8[%swap3A], %broadcast_in_dim3A_42 {strides = array<i32>} : memref<1024xi32, #tpu.memory_space<vmem>>, vector<16xi32>,
    %swap3A_46 = arith.constant 16 : index
    %swap3A_47 = tpu.vector_load %arg8[%swap3A_46] {strides = array<i32>} : memref<1024xi32, #tpu.memory_space<vmem>>, vector<16xi32>,
    tpu.vector_store %arg8[%swap3A_46], %broadcast_in_dim3A_42 {strides = array<i32>} : memref<1024xi32, #tpu.memory_space<vmem>>, vector<16xi32>,
    %swap3A_48 = arith.constant 32 : index
    %swap3A_49 = tpu.vector_load %arg8[%swap3A_48] {strides = array<i32>} : memref<1024xi32, #tpu.memory_space<vmem>>, vector<16xi32>,
    tpu.vector_store %arg8[%swap3A_48], %broadcast_in_dim3A_42 {strides = array<i32>} : memref<1024xi32, #tpu.memory_space<vmem>>, vector<16xi32>,
    %swap3A_50 = arith.constant 48 : index
    %swap3A_51 = tpu.vector_load %arg8[%swap3A_50] {strides = array<i32>} : memref<1024xi32, #tpu.memory_space<vmem>>, vector<16xi32>,
    tpu.vector_store %arg8[%swap3A_50], %broadcast_in_dim3A_42 {strides = array<i32>} : memref<1024xi32, #tpu.memory_space<vmem>>, vector<16xi32>,
    %swap3A_52 = arith.constant 64 : index
    %swap3A_53 = tpu.vector_load %arg8[%swap3A_52] {strides = array<i32>} : memref<1024xi32, #tpu.memory_space<vmem>>, vector<16xi32>,
    tpu.vector_store %arg8[%swap3A_52], %broadcast_in_dim3A_42 {strides = array<i32>} : memref<1024xi32, #tpu.memory_space<vmem>>, vector<16xi32>,
    %swap3A_54 = arith.constant 80 : index
    %swap3A_55 = tpu.vector_load %arg8[%swap3A_54] {strides = array<i32>} : memref<1024xi32, #tpu.memory_space<vmem>>, vector<16xi32>,
    tpu.vector_store %arg8[%swap3A_54], %broadcast_in_dim3A_42 {strides = array<i32>} : memref<1024xi32, #tpu.memory_space<vmem>>, vector<16xi32>,
    %swap3A_56 = arith.constant 96 : index
    %swap3A_57 = tpu.vector_load %arg8[%swap3A_56] {strides = array<i32>} : memref<1024xi32, #tpu.memory_space<vmem>>, vector<16xi32>,
    tpu.vector_store %arg8[%swap3A_56], %broadcast_in_dim3A_42 {strides = array<i32>} : memref<1024xi32, #tpu.memory_space<vmem>>, vector<16xi32>,
    %swap3A_58 = arith.constant 112 : index
    %swap3A_59 = tpu.vector_load %arg8[%swap3A_58] {strides = array<i32>} : memref<1024xi32, #tpu.memory_space<vmem>>, vector<16xi32>,
    tpu.vector_store %arg8[%swap3A_58], %broadcast_in_dim3A_42 {strides = array<i32>} : memref<1024xi32, #tpu.memory_space<vmem>>, vector<16xi32>,
    %swap3A_60 = arith.constant 128 : index
    %swap3A_61 = tpu.vector_load %arg8[%swap3A_60] {strides = array<i32>} : memref<1024xi32, #tpu.memory_space<vmem>>, vector<16xi32>,
    tpu.vector_store %arg8[%swap3A_60], %broadcast_in_dim3A_42 {strides = array<i32>} : memref<1024xi32, #tpu.memory_space<vmem>>, vector<16xi32>,
    %swap3A_62 = arith.constant 144 : index
    %swap3A_63 = tpu.vector_load %arg8[%swap3A_62] {strides = array<i32>} : memref<1024xi32, #tpu.memory_space<vmem>>, vector<16xi32>,
    tpu.vector_store %arg8[%swap3A_62], %broadcast_in_dim3A_42 {strides = array<i32>} : memref<1024xi32, #tpu.memory_space<vmem>>, vector<16xi32>,
    %swap3A_64 = arith.constant 160 : index
    %swap3A_65 = tpu.vector_load %arg8[%swap3A_64] {strides = array<i32>} : memref<1024xi32, #tpu.memory_space<vmem>>, vector<16xi32>,
    tpu.vector_store %arg8[%swap3A_64], %broadcast_in_dim3A_42 {strides = array<i32>} : memref<1024xi32, #tpu.memory_space<vmem>>, vector<16xi32>,
    %swap3A_66 = arith.constant 176 : index
    %swap3A_67 = tpu.vector_load %arg8[%swap3A_66] {strides = array<i32>} : memref<1024xi32, #tpu.memory_space<vmem>>, vector<16xi32>,
    tpu.vector_store %arg8[%swap3A_66], %broadcast_in_dim3A_42 {strides = array<i32>} : memref<1024xi32, #tpu.memory_space<vmem>>, vector<16xi32>,
    %swap3A_68 = arith.constant 192 : index
    %swap3A_69 = tpu.vector_load %arg8[%swap3A_68] {strides = array<i32>} : memref<1024xi32, #tpu.memory_space<vmem>>, vector<16xi32>,
    tpu.vector_store %arg8[%swap3A_68], %broadcast_in_dim3A_42 {strides = array<i32>} : memref<1024xi32, #tpu.memory_space<vmem>>, vector<16xi32>,
    %swap3A_70 = arith.constant 208 : index
    %swap3A_71 = tpu.vector_load %arg8[%swap3A_70] {strides = array<i32>} : memref<1024xi32, #tpu.memory_space<vmem>>, vector<16xi32>,
    tpu.vector_store %arg8[%swap3A_70], %broadcast_in_dim3A_42 {strides = array<i32>} : memref<1024xi32, #tpu.memory_space<vmem>>, vector<16xi32>,
    %swap3A_72 = arith.constant 224 : index
    %swap3A_73 = tpu.vector_load %arg8[%swap3A_72] {strides = array<i32>} : memref<1024xi32, #tpu.memory_space<vmem>>, vector<16xi32>,
    tpu.vector_store %arg8[%swap3A_72], %broadcast_in_dim3A_42 {strides = array<i32>} : memref<1024xi32, #tpu.memory_space<vmem>>, vector<16xi32>,
    %swap3A_74 = arith.constant 240 : index
    %swap3A_75 = tpu.vector_load %arg8[%swap3A_74] {strides = array<i32>} : memref<1024xi32, #tpu.memory_space<vmem>>, vector<16xi32>,
    tpu.vector_store %arg8[%swap3A_74], %broadcast_in_dim3A_42 {strides = array<i32>} : memref<1024xi32, #tpu.memory_space<vmem>>, vector<16xi32>,
    %swap3A_76 = arith.constant 256 : index
    %swap3A_77 = tpu.vector_load %arg8[%swap3A_76] {strides = array<i32>} : memref<1024xi32, #tpu.memory_space<vmem>>, vector<16xi32>,
    tpu.vector_store %arg8[%swap3A_76], %broadcast_in_dim3A_42 {strides = array<i32>} : memref<1024xi32, #tpu.memory_space<vmem>>, vector<16xi32>,
    %swap3A_78 = arith.constant 272 : index
    %swap3A_79 = tpu.vector_load %arg8[%swap3A_78] {strides = array<i32>} : memref<1024xi32, #tpu.memory_space<vmem>>, vector<16xi32>,
    tpu.vector_store %arg8[%swap3A_78], %broadcast_in_dim3A_42 {strides = array<i32>} : memref<1024xi32, #tpu.memory_space<vmem>>, vector<16xi32>,
    %swap3A_80 = arith.constant 288 : index
    %swap3A_81 = tpu.vector_load %arg8[%swap3A_80] {strides = array<i32>} : memref<1024xi32, #tpu.memory_space<vmem>>, vector<16xi32>,
    tpu.vector_store %arg8[%swap3A_80], %broadcast_in_dim3A_42 {strides = array<i32>} : memref<1024xi32, #tpu.memory_space<vmem>>, vector<16xi32>,
    %swap3A_82 = arith.constant 304 : index
    %swap3A_83 = tpu.vector_load %arg8[%swap3A_82] {strides = array<i32>} : memref<1024xi32, #tpu.memory_space<vmem>>, vector<16xi32>,
    tpu.vector_store %arg8[%swap3A_82], %broadcast_in_dim3A_42 {strides = array<i32>} : memref<1024xi32, #tpu.memory_space<vmem>>, vector<16xi32>,
    %swap3A_84 = arith.constant 320 : index
    %swap3A_85 = tpu.vector_load %arg8[%swap3A_84] {strides = array<i32>} : memref<1024xi32, #tpu.memory_space<vmem>>, vector<16xi32>,
    tpu.vector_store %arg8[%swap3A_84], %broadcast_in_dim3A_42 {strides = array<i32>} : memref<1024xi32, #tpu.memory_space<vmem>>, vector<16xi32>,
    %swap3A_86 = arith.constant 336 : index
    %swap3A_87 = tpu.vector_load %arg8[%swap3A_86] {strides = array<i32>} : memref<1024xi32, #tpu.memory_space<vmem>>, vector<16xi32>,
    tpu.vector_store %arg8[%swap3A_86], %broadcast_in_dim3A_42 {strides = array<i32>} : memref<1024xi32, #tpu.memory_space<vmem>>, vector<16xi32>,
    %swap3A_88 = arith.constant 352 : index
    %swap3A_89 = tpu.vector_load %arg8[%swap3A_88] {strides = array<i32>} : memref<1024xi32, #tpu.memory_space<vmem>>, vector<16xi32>,
    tpu.vector_store %arg8[%swap3A_88], %broadcast_in_dim3A_42 {strides = array<i32>} : memref<1024xi32, #tpu.memory_space<vmem>>, vector<16xi32>,
    %swap3A_90 = arith.constant 368 : index
    %swap3A_91 = tpu.vector_load %arg8[%swap3A_90] {strides = array<i32>} : memref<1024xi32, #tpu.memory_space<vmem>>, vector<16xi32>,
    tpu.vector_store %arg8[%swap3A_90], %broadcast_in_dim3A_42 {strides = array<i32>} : memref<1024xi32, #tpu.memory_space<vmem>>, vector<16xi32>,
    %swap3A_92 = arith.constant 384 : index
    %swap3A_93 = tpu.vector_load %arg8[%swap3A_92] {strides = array<i32>} : memref<1024xi32, #tpu.memory_space<vmem>>, vector<16xi32>,
    tpu.vector_store %arg8[%swap3A_92], %broadcast_in_dim3A_42 {strides = array<i32>} : memref<1024xi32, #tpu.memory_space<vmem>>, vector<16xi32>,
    %swap3A_94 = arith.constant 400 : index
    %swap3A_95 = tpu.vector_load %arg8[%swap3A_94] {strides = array<i32>} : memref<1024xi32, #tpu.memory_space<vmem>>, vector<16xi32>,
    tpu.vector_store %arg8[%swap3A_94], %broadcast_in_dim3A_42 {strides = array<i32>} : memref<1024xi32, #tpu.memory_space<vmem>>, vector<16xi32>,
    %swap3A_96 = arith.constant 416 : index
    %swap3A_97 = tpu.vector_load %arg8[%swap3A_96] {strides = array<i32>} : memref<1024xi32, #tpu.memory_space<vmem>>, vector<16xi32>,
    tpu.vector_store %arg8[%swap3A_96], %broadcast_in_dim3A_42 {strides = array<i32>} : memref<1024xi32, #tpu.memory_space<vmem>>, vector<16xi32>,
    %swap3A_98 = arith.constant 432 : index
    %swap3A_99 = tpu.vector_load %arg8[%swap3A_98] {strides = array<i32>} : memref<1024xi32, #tpu.memory_space<vmem>>, vector<16xi32>,
    tpu.vector_store %arg8[%swap3A_98], %broadcast_in_dim3A_42 {strides = array<i32>} : memref<1024xi32, #tpu.memory_space<vmem>>, vector<16xi32>,
    %swap3A_100 = arith.constant 448 : index
    %swap3A_101 = tpu.vector_load %arg8[%swap3A_100] {strides = array<i32>} : memref<1024xi32, #tpu.memory_space<vmem>>, vector<16xi32>,
    tpu.vector_store %arg8[%swap3A_100], %broadcast_in_dim3A_42 {strides = array<i32>} : memref<1024xi32, #tpu.memory_space<vmem>>, vector<16xi32>,
    %swap3A_102 = arith.constant 464 : index
    %swap3A_103 = tpu.vector_load %arg8[%swap3A_102] {strides = array<i32>} : memref<1024xi32, #tpu.memory_space<vmem>>, vector<16xi32>,
    tpu.vector_store %arg8[%swap3A_102], %broadcast_in_dim3A_42 {strides = array<i32>} : memref<1024xi32, #tpu.memory_space<vmem>>, vector<16xi32>,
    %swap3A_104 = arith.constant 480 : index
    %swap3A_105 = tpu.vector_load %arg8[%swap3A_104] {strides = array<i32>} : memref<1024xi32, #tpu.memory_space<vmem>>, vector<16xi32>,
    tpu.vector_store %arg8[%swap3A_104], %broadcast_in_dim3A_42 {strides = array<i32>} : memref<1024xi32, #tpu.memory_space<vmem>>, vector<16xi32>,
    %swap3A_106 = arith.constant 496 : index
    %swap3A_107 = tpu.vector_load %arg8[%swap3A_106] {strides = array<i32>} : memref<1024xi32, #tpu.memory_space<vmem>>, vector<16xi32>,
    tpu.vector_store %arg8[%swap3A_106], %broadcast_in_dim3A_42 {strides = array<i32>} : memref<1024xi32, #tpu.memory_space<vmem>>, vector<16xi32>,
    %swap3A_108 = arith.constant 512 : index
    %swap3A_109 = tpu.vector_load %arg8[%swap3A_108] {strides = array<i32>} : memref<1024xi32, #tpu.memory_space<vmem>>, vector<16xi32>,
    tpu.vector_store %arg8[%swap3A_108], %broadcast_in_dim3A_42 {strides = array<i32>} : memref<1024xi32, #tpu.memory_space<vmem>>, vector<16xi32>,
    %swap3A_110 = arith.constant 528 : index
    %swap3A_111 = tpu.vector_load %arg8[%swap3A_110] {strides = array<i32>} : memref<1024xi32, #tpu.memory_space<vmem>>, vector<16xi32>,
    tpu.vector_store %arg8[%swap3A_110], %broadcast_in_dim3A_42 {strides = array<i32>} : memref<1024xi32, #tpu.memory_space<vmem>>, vector<16xi32>,
    %swap3A_112 = arith.constant 544 : index
    %swap3A_113 = tpu.vector_load %arg8[%swap3A_112] {strides = array<i32>} : memref<1024xi32, #tpu.memory_space<vmem>>, vector<16xi32>,
    tpu.vector_store %arg8[%swap3A_112], %broadcast_in_dim3A_42 {strides = array<i32>} : memref<1024xi32, #tpu.memory_space<vmem>>, vector<16xi32>,
    %swap3A_114 = arith.constant 560 : index
    %swap3A_115 = tpu.vector_load %arg8[%swap3A_114] {strides = array<i32>} : memref<1024xi32, #tpu.memory_space<vmem>>, vector<16xi32>,
    tpu.vector_store %arg8[%swap3A_114], %broadcast_in_dim3A_42 {strides = array<i32>} : memref<1024xi32, #tpu.memory_space<vmem>>, vector<16xi32>,
    %swap3A_116 = arith.constant 576 : index
    %swap3A_117 = tpu.vector_load %arg8[%swap3A_116] {strides = array<i32>} : memref<1024xi32, #tpu.memory_space<vmem>>, vector<16xi32>,
    tpu.vector_store %arg8[%swap3A_116], %broadcast_in_dim3A_42 {strides = array<i32>} : memref<1024xi32, #tpu.memory_space<vmem>>, vector<16xi32>,
    %swap3A_118 = arith.constant 592 : index
    %swap3A_119 = tpu.vector_load %arg8[%swap3A_118] {strides = array<i32>} : memref<1024xi32, #tpu.memory_space<vmem>>, vector<16xi32>,
    tpu.vector_store %arg8[%swap3A_118], %broadcast_in_dim3A_42 {strides = array<i32>} : memref<1024xi32, #tpu.memory_space<vmem>>, vector<16xi32>,
    %swap3A_120 = arith.constant 608 : index
    %swap3A_121 = tpu.vector_load %arg8[%swap3A_120] {strides = array<i32>} : memref<1024xi32, #tpu.memory_space<vmem>>, vector<16xi32>,
    tpu.vector_store %arg8[%swap3A_120], %broadcast_in_dim3A_42 {strides = array<i32>} : memref<1024xi32, #tpu.memory_space<vmem>>, vector<16xi32>,
    %swap3A_122 = arith.constant 624 : index
    %swap3A_123 = tpu.vector_load %arg8[%swap3A_122] {strides = array<i32>} : memref<1024xi32, #tpu.memory_space<vmem>>, vector<16xi32>,
    tpu.vector_store %arg8[%swap3A_122], %broadcast_in_dim3A_42 {strides = array<i32>} : memref<1024xi32, #tpu.memory_space<vmem>>, vector<16xi32>,
    %swap3A_124 = arith.constant 640 : index
    %swap3A_125 = tpu.vector_load %arg8[%swap3A_124] {strides = array<i32>} : memref<1024xi32, #tpu.memory_space<vmem>>, vector<16xi32>,
    tpu.vector_store %arg8[%swap3A_124], %broadcast_in_dim3A_42 {strides = array<i32>} : memref<1024xi32, #tpu.memory_space<vmem>>, vector<16xi32>,
    %swap3A_126 = arith.constant 656 : index
    %swap3A_127 = tpu.vector_load %arg8[%swap3A_126] {strides = array<i32>} : memref<1024xi32, #tpu.memory_space<vmem>>, vector<16xi32>,
    tpu.vector_store %arg8[%swap3A_126], %broadcast_in_dim3A_42 {strides = array<i32>} : memref<1024xi32, #tpu.memory_space<vmem>>, vector<16xi32>,
    %swap3A_128 = arith.constant 672 : index
    %swap3A_129 = tpu.vector_load %arg8[%swap3A_128] {strides = array<i32>} : memref<1024xi32, #tpu.memory_space<vmem>>, vector<16xi32>,
    tpu.vector_store %arg8[%swap3A_128], %broadcast_in_dim3A_42 {strides = array<i32>} : memref<1024xi32, #tpu.memory_space<vmem>>, vector<16xi32>,
    %swap3A_130 = arith.constant 688 : index
    %swap3A_131 = tpu.vector_load %arg8[%swap3A_130] {strides = array<i32>} : memref<1024xi32, #tpu.memory_space<vmem>>, vector<16xi32>,
    tpu.vector_store %arg8[%swap3A_130], %broadcast_in_dim3A_42 {strides = array<i32>} : memref<1024xi32, #tpu.memory_space<vmem>>, vector<16xi32>,
    %swap3A_132 = arith.constant 704 : index
    %swap3A_133 = tpu.vector_load %arg8[%swap3A_132] {strides = array<i32>} : memref<1024xi32, #tpu.memory_space<vmem>>, vector<16xi32>,
    tpu.vector_store %arg8[%swap3A_132], %broadcast_in_dim3A_42 {strides = array<i32>} : memref<1024xi32, #tpu.memory_space<vmem>>, vector<16xi32>,
    %swap3A_134 = arith.constant 720 : index
    %swap3A_135 = tpu.vector_load %arg8[%swap3A_134] {strides = array<i32>} : memref<1024xi32, #tpu.memory_space<vmem>>, vector<16xi32>,
    tpu.vector_store %arg8[%swap3A_134], %broadcast_in_dim3A_42 {strides = array<i32>} : memref<1024xi32, #tpu.memory_space<vmem>>, vector<16xi32>,
    %swap3A_136 = arith.constant 736 : index
    %swap3A_137 = tpu.vector_load %arg8[%swap3A_136] {strides = array<i32>} : memref<1024xi32, #tpu.memory_space<vmem>>, vector<16xi32>,
    tpu.vector_store %arg8[%swap3A_136], %broadcast_in_dim3A_42 {strides = array<i32>} : memref<1024xi32, #tpu.memory_space<vmem>>, vector<16xi32>,
    %swap3A_138 = arith.constant 752 : index
    %swap3A_139 = tpu.vector_load %arg8[%swap3A_138] {strides = array<i32>} : memref<1024xi32, #tpu.memory_space<vmem>>, vector<16xi32>,
    tpu.vector_store %arg8[%swap3A_138], %broadcast_in_dim3A_42 {strides = array<i32>} : memref<1024xi32, #tpu.memory_space<vmem>>, vector<16xi32>,
    %swap3A_140 = arith.constant 768 : index
    %swap3A_141 = tpu.vector_load %arg8[%swap3A_140] {strides = array<i32>} : memref<1024xi32, #tpu.memory_space<vmem>>, vector<16xi32>,
    tpu.vector_store %arg8[%swap3A_140], %broadcast_in_dim3A_42 {strides = array<i32>} : memref<1024xi32, #tpu.memory_space<vmem>>, vector<16xi32>,
    %swap3A_142 = arith.constant 784 : index
    %swap3A_143 = tpu.vector_load %arg8[%swap3A_142] {strides = array<i32>} : memref<1024xi32, #tpu.memory_space<vmem>>, vector<16xi32>,
    tpu.vector_store %arg8[%swap3A_142], %broadcast_in_dim3A_42 {strides = array<i32>} : memref<1024xi32, #tpu.memory_space<vmem>>, vector<16xi32>,
    %swap3A_144 = arith.constant 800 : index
    %swap3A_145 = tpu.vector_load %arg8[%swap3A_144] {strides = array<i32>} : memref<1024xi32, #tpu.memory_space<vmem>>, vector<16xi32>,
    tpu.vector_store %arg8[%swap3A_144], %broadcast_in_dim3A_42 {strides = array<i32>} : memref<1024xi32, #tpu.memory_space<vmem>>, vector<16xi32>,
    %swap3A_146 = arith.constant 816 : index
    %swap3A_147 = tpu.vector_load %arg8[%swap3A_146] {strides = array<i32>} : memref<1024xi32, #tpu.memory_space<vmem>>, vector<16xi32>,
    tpu.vector_store %arg8[%swap3A_146], %broadcast_in_dim3A_42 {strides = array<i32>} : memref<1024xi32, #tpu.memory_space<vmem>>, vector<16xi32>,
    %swap3A_148 = arith.constant 832 : index
    %swap3A_149 = tpu.vector_load %arg8[%swap3A_148] {strides = array<i32>} : memref<1024xi32, #tpu.memory_space<vmem>>, vector<16xi32>,
    tpu.vector_store %arg8[%swap3A_148], %broadcast_in_dim3A_42 {strides = array<i32>} : memref<1024xi32, #tpu.memory_space<vmem>>, vector<16xi32>,
    %swap3A_150 = arith.constant 848 : index
    %swap3A_151 = tpu.vector_load %arg8[%swap3A_150] {strides = array<i32>} : memref<1024xi32, #tpu.memory_space<vmem>>, vector<16xi32>,
    tpu.vector_store %arg8[%swap3A_150], %broadcast_in_dim3A_42 {strides = array<i32>} : memref<1024xi32, #tpu.memory_space<vmem>>, vector<16xi32>,
    %swap3A_152 = arith.constant 864 : index
    %swap3A_153 = tpu.vector_load %arg8[%swap3A_152] {strides = array<i32>} : memref<1024xi32, #tpu.memory_space<vmem>>, vector<16xi32>,
    tpu.vector_store %arg8[%swap3A_152], %broadcast_in_dim3A_42 {strides = array<i32>} : memref<1024xi32, #tpu.memory_space<vmem>>, vector<16xi32>,
    %swap3A_154 = arith.constant 880 : index
    %swap3A_155 = tpu.vector_load %arg8[%swap3A_154] {strides = array<i32>} : memref<1024xi32, #tpu.memory_space<vmem>>, vector<16xi32>,
    tpu.vector_store %arg8[%swap3A_154], %broadcast_in_dim3A_42 {strides = array<i32>} : memref<1024xi32, #tpu.memory_space<vmem>>, vector<16xi32>,
    %swap3A_156 = arith.constant 896 : index
    %swap3A_157 = tpu.vector_load %arg8[%swap3A_156] {strides = array<i32>} : memref<1024xi32, #tpu.memory_space<vmem>>, vector<16xi32>,
    tpu.vector_store %arg8[%swap3A_156], %broadcast_in_dim3A_42 {strides = array<i32>} : memref<1024xi32, #tpu.memory_space<vmem>>, vector<16xi32>,
    %swap3A_158 = arith.constant 912 : index
    %swap3A_159 = tpu.vector_load %arg8[%swap3A_158] {strides = array<i32>} : memref<1024xi32, #tpu.memory_space<vmem>>, vector<16xi32>,
    tpu.vector_store %arg8[%swap3A_158], %broadcast_in_dim3A_42 {strides = array<i32>} : memref<1024xi32, #tpu.memory_space<vmem>>, vector<16xi32>,
    %swap3A_160 = arith.constant 928 : index
    %swap3A_161 = tpu.vector_load %arg8[%swap3A_160] {strides = array<i32>} : memref<1024xi32, #tpu.memory_space<vmem>>, vector<16xi32>,
    tpu.vector_store %arg8[%swap3A_160], %broadcast_in_dim3A_42 {strides = array<i32>} : memref<1024xi32, #tpu.memory_space<vmem>>, vector<16xi32>,
    %swap3A_162 = arith.constant 944 : index
    %swap3A_163 = tpu.vector_load %arg8[%swap3A_162] {strides = array<i32>} : memref<1024xi32, #tpu.memory_space<vmem>>, vector<16xi32>,
    tpu.vector_store %arg8[%swap3A_162], %broadcast_in_dim3A_42 {strides = array<i32>} : memref<1024xi32, #tpu.memory_space<vmem>>, vector<16xi32>,
    %swap3A_164 = arith.constant 960 : index
    %swap3A_165 = tpu.vector_load %arg8[%swap3A_164] {strides = array<i32>} : memref<1024xi32, #tpu.memory_space<vmem>>, vector<16xi32>,
    tpu.vector_store %arg8[%swap3A_164], %broadcast_in_dim3A_42 {strides = array<i32>} : memref<1024xi32, #tpu.memory_space<vmem>>, vector<16xi32>,
    %swap3A_166 = arith.constant 976 : index
    %swap3A_167 = tpu.vector_load %arg8[%swap3A_166] {strides = array<i32>} : memref<1024xi32, #tpu.memory_space<vmem>>, vector<16xi32>,
    tpu.vector_store %arg8[%swap3A_166], %broadcast_in_dim3A_42 {strides = array<i32>} : memref<1024xi32, #tpu.memory_space<vmem>>, vector<16xi32>,
    %swap3A_168 = arith.constant 992 : index
    %swap3A_169 = tpu.vector_load %arg8[%swap3A_168] {strides = array<i32>} : memref<1024xi32, #tpu.memory_space<vmem>>, vector<16xi32>,
    tpu.vector_store %arg8[%swap3A_168], %broadcast_in_dim3A_42 {strides = array<i32>} : memref<1024xi32, #tpu.memory_space<vmem>>, vector<16xi32>,
    %swap3A_170 = arith.constant 1008 : index
    %swap3A_171 = tpu.vector_load %arg8[%swap3A_170] {strides = array<i32>} : memref<1024xi32, #tpu.memory_space<vmem>>, vector<16xi32>,
    tpu.vector_store %arg8[%swap3A_170], %broadcast_in_dim3A_42 {strides = array<i32>} : memref<1024xi32, #tpu.memory_space<vmem>>, vector<16xi32>,
    %get3A = arith.constant 0 : i32
    %get3A_172 = arith.index_cast %get3A : i32 to index
    %get3A_173 = arith.constant 0 : index
    %get3A_174 = tpu.vector_load %arg6[%get3A_172, %get3A_173] {strides = array<i32>} : memref<4x128xi32, #tpu.memory_space<vmem>>, vector<16xi32>,
    tpu.vector_store_idx %arg8[%get3A_174], %broadcast_in_dim3A_44 {add = true} : memref<1024xi32, #tpu.memory_space<vmem>>[vector<16xi32>], vector<16xi32>,
    %get3A_175 = arith.constant 0 : i32
    %get3A_176 = arith.index_cast %get3A_175 : i32 to index
    %get3A_177 = arith.constant 16 : index
    %get3A_178 = tpu.vector_load %arg6[%get3A_176, %get3A_177] {strides = array<i32>} : memref<4x128xi32, #tpu.memory_space<vmem>>, vector<16xi32>,
    tpu.vector_store_idx %arg8[%get3A_178], %broadcast_in_dim3A_44 {add = true} : memref<1024xi32, #tpu.memory_space<vmem>>[vector<16xi32>], vector<16xi32>,
    %get3A_179 = arith.constant 0 : i32
    %get3A_180 = arith.index_cast %get3A_179 : i32 to index
    %get3A_181 = arith.constant 32 : index
    %get3A_182 = tpu.vector_load %arg6[%get3A_180, %get3A_181] {strides = array<i32>} : memref<4x128xi32, #tpu.memory_space<vmem>>, vector<16xi32>,
    tpu.vector_store_idx %arg8[%get3A_182], %broadcast_in_dim3A_44 {add = true} : memref<1024xi32, #tpu.memory_space<vmem>>[vector<16xi32>], vector<16xi32>,
    %get3A_183 = arith.constant 0 : i32
    %get3A_184 = arith.index_cast %get3A_183 : i32 to index
    %get3A_185 = arith.constant 48 : index
    %get3A_186 = tpu.vector_load %arg6[%get3A_184, %get3A_185] {strides = array<i32>} : memref<4x128xi32, #tpu.memory_space<vmem>>, vector<16xi32>,
    tpu.vector_store_idx %arg8[%get3A_186], %broadcast_in_dim3A_44 {add = true} : memref<1024xi32, #tpu.memory_space<vmem>>[vector<16xi32>], vector<16xi32>,
    %get3A_187 = arith.constant 0 : i32
    %get3A_188 = arith.index_cast %get3A_187 : i32 to index
    %get3A_189 = arith.constant 64 : index
    %get3A_190 = tpu.vector_load %arg6[%get3A_188, %get3A_189] {strides = array<i32>} : memref<4x128xi32, #tpu.memory_space<vmem>>, vector<16xi32>,
    tpu.vector_store_idx %arg8[%get3A_190], %broadcast_in_dim3A_44 {add = true} : memref<1024xi32, #tpu.memory_space<vmem>>[vector<16xi32>], vector<16xi32>,
    %get3A_191 = arith.constant 0 : i32
    %get3A_192 = arith.index_cast %get3A_191 : i32 to index
    %get3A_193 = arith.constant 80 : index
    %get3A_194 = tpu.vector_load %arg6[%get3A_192, %get3A_193] {strides = array<i32>} : memref<4x128xi32, #tpu.memory_space<vmem>>, vector<16xi32>,
    tpu.vector_store_idx %arg8[%get3A_194], %broadcast_in_dim3A_44 {add = true} : memref<1024xi32, #tpu.memory_space<vmem>>[vector<16xi32>], vector<16xi32>,
    %get3A_195 = arith.constant 0 : i32
    %get3A_196 = arith.index_cast %get3A_195 : i32 to index
    %get3A_197 = arith.constant 96 : index
    %get3A_198 = tpu.vector_load %arg6[%get3A_196, %get3A_197] {strides = array<i32>} : memref<4x128xi32, #tpu.memory_space<vmem>>, vector<16xi32>,
    tpu.vector_store_idx %arg8[%get3A_198], %broadcast_in_dim3A_44 {add = true} : memref<1024xi32, #tpu.memory_space<vmem>>[vector<16xi32>], vector<16xi32>,
    %get3A_199 = arith.constant 0 : i32
    %get3A_200 = arith.index_cast %get3A_199 : i32 to index
    %get3A_201 = arith.constant 112 : index
    %get3A_202 = tpu.vector_load %arg6[%get3A_200, %get3A_201] {strides = array<i32>} : memref<4x128xi32, #tpu.memory_space<vmem>>, vector<16xi32>,
    tpu.vector_store_idx %arg8[%get3A_202], %broadcast_in_dim3A_44 {add = true} : memref<1024xi32, #tpu.memory_space<vmem>>[vector<16xi32>], vector<16xi32>,
    %get3A_203 = arith.constant 1 : i32
    %get3A_204 = arith.index_cast %get3A_203 : i32 to index
    %get3A_205 = arith.constant 0 : index
    %get3A_206 = tpu.vector_load %arg6[%get3A_204, %get3A_205] {strides = array<i32>} : memref<4x128xi32, #tpu.memory_space<vmem>>, vector<16xi32>,
    tpu.vector_store_idx %arg8[%get3A_206], %broadcast_in_dim3A_44 {add = true} : memref<1024xi32, #tpu.memory_space<vmem>>[vector<16xi32>], vector<16xi32>,
    %get3A_207 = arith.constant 1 : i32
    %get3A_208 = arith.index_cast %get3A_207 : i32 to index
    %get3A_209 = arith.constant 16 : index
    %get3A_210 = tpu.vector_load %arg6[%get3A_208, %get3A_209] {strides = array<i32>} : memref<4x128xi32, #tpu.memory_space<vmem>>, vector<16xi32>,
    tpu.vector_store_idx %arg8[%get3A_210], %broadcast_in_dim3A_44 {add = true} : memref<1024xi32, #tpu.memory_space<vmem>>[vector<16xi32>], vector<16xi32>,
    %get3A_211 = arith.constant 1 : i32
    %get3A_212 = arith.index_cast %get3A_211 : i32 to index
    %get3A_213 = arith.constant 32 : index
    %get3A_214 = tpu.vector_load %arg6[%get3A_212, %get3A_213] {strides = array<i32>} : memref<4x128xi32, #tpu.memory_space<vmem>>, vector<16xi32>,
    tpu.vector_store_idx %arg8[%get3A_214], %broadcast_in_dim3A_44 {add = true} : memref<1024xi32, #tpu.memory_space<vmem>>[vector<16xi32>], vector<16xi32>,
    %get3A_215 = arith.constant 1 : i32
    %get3A_216 = arith.index_cast %get3A_215 : i32 to index
    %get3A_217 = arith.constant 48 : index
    %get3A_218 = tpu.vector_load %arg6[%get3A_216, %get3A_217] {strides = array<i32>} : memref<4x128xi32, #tpu.memory_space<vmem>>, vector<16xi32>,
    tpu.vector_store_idx %arg8[%get3A_218], %broadcast_in_dim3A_44 {add = true} : memref<1024xi32, #tpu.memory_space<vmem>>[vector<16xi32>], vector<16xi32>,
    %get3A_219 = arith.constant 1 : i32
    %get3A_220 = arith.index_cast %get3A_219 : i32 to index
    %get3A_221 = arith.constant 64 : index
    %get3A_222 = tpu.vector_load %arg6[%get3A_220, %get3A_221] {strides = array<i32>} : memref<4x128xi32, #tpu.memory_space<vmem>>, vector<16xi32>,
    tpu.vector_store_idx %arg8[%get3A_222], %broadcast_in_dim3A_44 {add = true} : memref<1024xi32, #tpu.memory_space<vmem>>[vector<16xi32>], vector<16xi32>,
    %get3A_223 = arith.constant 1 : i32
    %get3A_224 = arith.index_cast %get3A_223 : i32 to index
    %get3A_225 = arith.constant 80 : index
    %get3A_226 = tpu.vector_load %arg6[%get3A_224, %get3A_225] {strides = array<i32>} : memref<4x128xi32, #tpu.memory_space<vmem>>, vector<16xi32>,
    tpu.vector_store_idx %arg8[%get3A_226], %broadcast_in_dim3A_44 {add = true} : memref<1024xi32, #tpu.memory_space<vmem>>[vector<16xi32>], vector<16xi32>,
    %get3A_227 = arith.constant 1 : i32
    %get3A_228 = arith.index_cast %get3A_227 : i32 to index
    %get3A_229 = arith.constant 96 : index
    %get3A_230 = tpu.vector_load %arg6[%get3A_228, %get3A_229] {strides = array<i32>} : memref<4x128xi32, #tpu.memory_space<vmem>>, vector<16xi32>,
    tpu.vector_store_idx %arg8[%get3A_230], %broadcast_in_dim3A_44 {add = true} : memref<1024xi32, #tpu.memory_space<vmem>>[vector<16xi32>], vector<16xi32>,
    %get3A_231 = arith.constant 1 : i32
    %get3A_232 = arith.index_cast %get3A_231 : i32 to index
    %get3A_233 = arith.constant 112 : index
    %get3A_234 = tpu.vector_load %arg6[%get3A_232, %get3A_233] {strides = array<i32>} : memref<4x128xi32, #tpu.memory_space<vmem>>, vector<16xi32>,
    tpu.vector_store_idx %arg8[%get3A_234], %broadcast_in_dim3A_44 {add = true} : memref<1024xi32, #tpu.memory_space<vmem>>[vector<16xi32>], vector<16xi32>,
    %get3A_235 = arith.constant 2 : i32
    %get3A_236 = arith.index_cast %get3A_235 : i32 to index
    %get3A_237 = arith.constant 0 : index
    %get3A_238 = tpu.vector_load %arg6[%get3A_236, %get3A_237] {strides = array<i32>} : memref<4x128xi32, #tpu.memory_space<vmem>>, vector<16xi32>,
    tpu.vector_store_idx %arg8[%get3A_238], %broadcast_in_dim3A_44 {add = true} : memref<1024xi32, #tpu.memory_space<vmem>>[vector<16xi32>], vector<16xi32>,
    %get3A_239 = arith.constant 2 : i32
    %get3A_240 = arith.index_cast %get3A_239 : i32 to index
    %get3A_241 = arith.constant 16 : index
    %get3A_242 = tpu.vector_load %arg6[%get3A_240, %get3A_241] {strides = array<i32>} : memref<4x128xi32, #tpu.memory_space<vmem>>, vector<16xi32>,
    tpu.vector_store_idx %arg8[%get3A_242], %broadcast_in_dim3A_44 {add = true} : memref<1024xi32, #tpu.memory_space<vmem>>[vector<16xi32>], vector<16xi32>,
    %get3A_243 = arith.constant 2 : i32
    %get3A_244 = arith.index_cast %get3A_243 : i32 to index
    %get3A_245 = arith.constant 32 : index
    %get3A_246 = tpu.vector_load %arg6[%get3A_244, %get3A_245] {strides = array<i32>} : memref<4x128xi32, #tpu.memory_space<vmem>>, vector<16xi32>,
    tpu.vector_store_idx %arg8[%get3A_246], %broadcast_in_dim3A_44 {add = true} : memref<1024xi32, #tpu.memory_space<vmem>>[vector<16xi32>], vector<16xi32>,
    %get3A_247 = arith.constant 2 : i32
    %get3A_248 = arith.index_cast %get3A_247 : i32 to index
    %get3A_249 = arith.constant 48 : index
    %get3A_250 = tpu.vector_load %arg6[%get3A_248, %get3A_249] {strides = array<i32>} : memref<4x128xi32, #tpu.memory_space<vmem>>, vector<16xi32>,
    tpu.vector_store_idx %arg8[%get3A_250], %broadcast_in_dim3A_44 {add = true} : memref<1024xi32, #tpu.memory_space<vmem>>[vector<16xi32>], vector<16xi32>,
    %get3A_251 = arith.constant 2 : i32
    %get3A_252 = arith.index_cast %get3A_251 : i32 to index
    %get3A_253 = arith.constant 64 : index
    %get3A_254 = tpu.vector_load %arg6[%get3A_252, %get3A_253] {strides = array<i32>} : memref<4x128xi32, #tpu.memory_space<vmem>>, vector<16xi32>,
    tpu.vector_store_idx %arg8[%get3A_254], %broadcast_in_dim3A_44 {add = true} : memref<1024xi32, #tpu.memory_space<vmem>>[vector<16xi32>], vector<16xi32>,
    %get3A_255 = arith.constant 2 : i32
    %get3A_256 = arith.index_cast %get3A_255 : i32 to index
    %get3A_257 = arith.constant 80 : index
    %get3A_258 = tpu.vector_load %arg6[%get3A_256, %get3A_257] {strides = array<i32>} : memref<4x128xi32, #tpu.memory_space<vmem>>, vector<16xi32>,
    tpu.vector_store_idx %arg8[%get3A_258], %broadcast_in_dim3A_44 {add = true} : memref<1024xi32, #tpu.memory_space<vmem>>[vector<16xi32>], vector<16xi32>,
    %get3A_259 = arith.constant 2 : i32
    %get3A_260 = arith.index_cast %get3A_259 : i32 to index
    %get3A_261 = arith.constant 96 : index
    %get3A_262 = tpu.vector_load %arg6[%get3A_260, %get3A_261] {strides = array<i32>} : memref<4x128xi32, #tpu.memory_space<vmem>>, vector<16xi32>,
    tpu.vector_store_idx %arg8[%get3A_262], %broadcast_in_dim3A_44 {add = true} : memref<1024xi32, #tpu.memory_space<vmem>>[vector<16xi32>], vector<16xi32>,
    %get3A_263 = arith.constant 2 : i32
    %get3A_264 = arith.index_cast %get3A_263 : i32 to index
    %get3A_265 = arith.constant 112 : index
    %get3A_266 = tpu.vector_load %arg6[%get3A_264, %get3A_265] {strides = array<i32>} : memref<4x128xi32, #tpu.memory_space<vmem>>, vector<16xi32>,
    tpu.vector_store_idx %arg8[%get3A_266], %broadcast_in_dim3A_44 {add = true} : memref<1024xi32, #tpu.memory_space<vmem>>[vector<16xi32>], vector<16xi32>,
    %get3A_267 = arith.constant 3 : i32
    %get3A_268 = arith.index_cast %get3A_267 : i32 to index
    %get3A_269 = arith.constant 0 : index
    %get3A_270 = tpu.vector_load %arg6[%get3A_268, %get3A_269] {strides = array<i32>} : memref<4x128xi32, #tpu.memory_space<vmem>>, vector<16xi32>,
    tpu.vector_store_idx %arg8[%get3A_270], %broadcast_in_dim3A_44 {add = true} : memref<1024xi32, #tpu.memory_space<vmem>>[vector<16xi32>], vector<16xi32>,
    %get3A_271 = arith.constant 3 : i32
    %get3A_272 = arith.index_cast %get3A_271 : i32 to index
    %get3A_273 = arith.constant 16 : index
    %get3A_274 = tpu.vector_load %arg6[%get3A_272, %get3A_273] {strides = array<i32>} : memref<4x128xi32, #tpu.memory_space<vmem>>, vector<16xi32>,
    tpu.vector_store_idx %arg8[%get3A_274], %broadcast_in_dim3A_44 {add = true} : memref<1024xi32, #tpu.memory_space<vmem>>[vector<16xi32>], vector<16xi32>,
    %get3A_275 = arith.constant 3 : i32
    %get3A_276 = arith.index_cast %get3A_275 : i32 to index
    %get3A_277 = arith.constant 32 : index
    %get3A_278 = tpu.vector_load %arg6[%get3A_276, %get3A_277] {strides = array<i32>} : memref<4x128xi32, #tpu.memory_space<vmem>>, vector<16xi32>,
    tpu.vector_store_idx %arg8[%get3A_278], %broadcast_in_dim3A_44 {add = true} : memref<1024xi32, #tpu.memory_space<vmem>>[vector<16xi32>], vector<16xi32>,
    %get3A_279 = arith.constant 3 : i32
    %get3A_280 = arith.index_cast %get3A_279 : i32 to index
    %get3A_281 = arith.constant 48 : index
    %get3A_282 = tpu.vector_load %arg6[%get3A_280, %get3A_281] {strides = array<i32>} : memref<4x128xi32, #tpu.memory_space<vmem>>, vector<16xi32>,
    tpu.vector_store_idx %arg8[%get3A_282], %broadcast_in_dim3A_44 {add = true} : memref<1024xi32, #tpu.memory_space<vmem>>[vector<16xi32>], vector<16xi32>,
    %get3A_283 = arith.constant 3 : i32
    %get3A_284 = arith.index_cast %get3A_283 : i32 to index
    %get3A_285 = arith.constant 64 : index
    %get3A_286 = tpu.vector_load %arg6[%get3A_284, %get3A_285] {strides = array<i32>} : memref<4x128xi32, #tpu.memory_space<vmem>>, vector<16xi32>,
    tpu.vector_store_idx %arg8[%get3A_286], %broadcast_in_dim3A_44 {add = true} : memref<1024xi32, #tpu.memory_space<vmem>>[vector<16xi32>], vector<16xi32>,
    %get3A_287 = arith.constant 3 : i32
    %get3A_288 = arith.index_cast %get3A_287 : i32 to index
    %get3A_289 = arith.constant 80 : index
    %get3A_290 = tpu.vector_load %arg6[%get3A_288, %get3A_289] {strides = array<i32>} : memref<4x128xi32, #tpu.memory_space<vmem>>, vector<16xi32>,
    tpu.vector_store_idx %arg8[%get3A_290], %broadcast_in_dim3A_44 {add = true} : memref<1024xi32, #tpu.memory_space<vmem>>[vector<16xi32>], vector<16xi32>,
    %get3A_291 = arith.constant 3 : i32
    %get3A_292 = arith.index_cast %get3A_291 : i32 to index
    %get3A_293 = arith.constant 96 : index
    %get3A_294 = tpu.vector_load %arg6[%get3A_292, %get3A_293] {strides = array<i32>} : memref<4x128xi32, #tpu.memory_space<vmem>>, vector<16xi32>,
    tpu.vector_store_idx %arg8[%get3A_294], %broadcast_in_dim3A_44 {add = true} : memref<1024xi32, #tpu.memory_space<vmem>>[vector<16xi32>], vector<16xi32>,
    %get3A_295 = arith.constant 3 : i32
    %get3A_296 = arith.index_cast %get3A_295 : i32 to index
    %get3A_297 = arith.constant 112 : index
    %get3A_298 = tpu.vector_load %arg6[%get3A_296, %get3A_297] {strides = array<i32>} : memref<4x128xi32, #tpu.memory_space<vmem>>, vector<16xi32>,
    tpu.vector_store_idx %arg8[%get3A_298], %broadcast_in_dim3A_44 {add = true} : memref<1024xi32, #tpu.memory_space<vmem>>[vector<16xi32>], vector<16xi32>,
    "tpu.region"() ({
      %run_scoped3A = tpu.sem_alloc : memref<!tpu.dma_semaphore, #tpu.memory_space<semaphore_mem>>
      %dma_start3A_340 = arith.constant 0 : i32
      %dma_start3A_341 = tpu.memref_slice %arg5[%add3A, %dma_start3A_340] : memref<32x1024xi32, #tpu.memory_space<hbm>> -> memref<1x1024xi32, #tpu.memory_space<hbm>>
      %dma_start3A_342 = tpu.memref_squeeze %dma_start3A_341 : memref<1x1024xi32, #tpu.memory_space<hbm>> -> memref<1024xi32, #tpu.memory_space<hbm>>
      %dma_start3A_343 = arith.constant 0 : i32
      %dma_start3A_344 = tpu.memref_slice %arg5[%add3A, %dma_start3A_343] : memref<32x1024xi32, #tpu.memory_space<hbm>> -> memref<1x1024xi32, #tpu.memory_space<hbm>>
      %dma_start3A_345 = tpu.memref_squeeze %dma_start3A_344 : memref<1x1024xi32, #tpu.memory_space<hbm>> -> memref<1024xi32, #tpu.memory_space<hbm>>
      tpu.enqueue_dma source(%arg8 : memref<1024xi32, #tpu.memory_space<vmem>>) target(%dma_start3A_345 : memref<1024xi32, #tpu.memory_space<hbm>>) target_semaphore(%run_scoped3A : memref<!tpu.dma_semaphore, #tpu.memory_space<semaphore_mem>>)
      %dma_wait3A_346 = arith.constant 0 : i32
      %dma_wait3A_347 = tpu.memref_slice %arg5[%add3A, %dma_wait3A_346] : memref<32x1024xi32, #tpu.memory_space<hbm>> -> memref<1x1024xi32, #tpu.memory_space<hbm>>
      %dma_wait3A_348 = tpu.memref_squeeze %dma_wait3A_347 : memref<1x1024xi32, #tpu.memory_space<hbm>> -> memref<1024xi32, #tpu.memory_space<hbm>>
      %dma_wait3A_349 = arith.constant 0 : i32
      %dma_wait3A_350 = tpu.memref_slice %arg5[%add3A, %dma_wait3A_349] : memref<32x1024xi32, #tpu.memory_space<hbm>> -> memref<1x1024xi32, #tpu.memory_space<hbm>>
      %dma_wait3A_351 = tpu.memref_squeeze %dma_wait3A_350 : memref<1x1024xi32, #tpu.memory_space<hbm>> -> memref<1024xi32, #tpu.memory_space<hbm>>
      tpu.wait_dma2 semaphore(%run_scoped3A : memref<!tpu.dma_semaphore, #tpu.memory_space<semaphore_mem>>) src(%arg8 : memref<1024xi32, #tpu.memory_space<vmem>>) dst(%dma_wait3A_351 : memref<1024xi32, #tpu.memory_space<hbm>>)
      tpu.yield
    }) : () -> ()
    %dma_wait3A = arith.constant 0 : i32
    %dma_wait3A_299 = arith.constant 0 : i32
    %dma_wait3A_300 = arith.constant 0 : i32
    %dma_wait3A_301 = tpu.memref_slice %arg7[%dma_wait3A_299, %dma_wait3A_300] : memref<512x64xf32, #tpu.memory_space<vmem>> -> memref<128x64xf32, #tpu.memory_space<vmem>>
    %dma_wait3A_302 = arith.constant 0 : i32
    %dma_wait3A_303 = tpu.memref_slice %arg6[%dma_wait3A, %dma_wait3A_302] : memref<4x128xi32, #tpu.memory_space<vmem>> -> memref<1x128xi32, #tpu.memory_space<vmem>>
    %dma_wait3A_304 = tpu.memref_squeeze %dma_wait3A_303 : memref<1x128xi32, #tpu.memory_space<vmem>> -> memref<128xi32, #tpu.memory_space<vmem>>
    %dma_wait3A_305 = arith.constant 0 : i32
    %dma_wait3A_306 = arith.constant 0 : i32
    %dma_wait3A_307 = tpu.memref_slice %arg2[%dma_wait3A_305, %dma_wait3A_306] : memref<1024x64xf32, #tpu.memory_space<hbm>> -> memref<1024x64xf32, #tpu.memory_space<hbm>>
    tpu.wait_indirect_dma semaphore(%arg9 : memref<!tpu.dma_semaphore, #tpu.memory_space<semaphore_mem>>) src(%dma_wait3A_307 : memref<1024x64xf32, #tpu.memory_space<hbm>>) dst(%dma_wait3A_301 : memref<128x64xf32, #tpu.memory_space<vmem>>)
    %dma_wait3A_308 = arith.constant 1 : i32
    %dma_wait3A_309 = arith.constant 128 : i32
    %dma_wait3A_310 = arith.constant 0 : i32
    %dma_wait3A_311 = tpu.memref_slice %arg7[%dma_wait3A_309, %dma_wait3A_310] : memref<512x64xf32, #tpu.memory_space<vmem>> -> memref<128x64xf32, #tpu.memory_space<vmem>>
    %dma_wait3A_312 = arith.constant 0 : i32
    %dma_wait3A_313 = tpu.memref_slice %arg6[%dma_wait3A_308, %dma_wait3A_312] : memref<4x128xi32, #tpu.memory_space<vmem>> -> memref<1x128xi32, #tpu.memory_space<vmem>>
    %dma_wait3A_314 = tpu.memref_squeeze %dma_wait3A_313 : memref<1x128xi32, #tpu.memory_space<vmem>> -> memref<128xi32, #tpu.memory_space<vmem>>
    %dma_wait3A_315 = arith.constant 0 : i32
    %dma_wait3A_316 = arith.constant 0 : i32
    %dma_wait3A_317 = tpu.memref_slice %arg2[%dma_wait3A_315, %dma_wait3A_316] : memref<1024x64xf32, #tpu.memory_space<hbm>> -> memref<1024x64xf32, #tpu.memory_space<hbm>>
    tpu.wait_indirect_dma semaphore(%arg9 : memref<!tpu.dma_semaphore, #tpu.memory_space<semaphore_mem>>) src(%dma_wait3A_317 : memref<1024x64xf32, #tpu.memory_space<hbm>>) dst(%dma_wait3A_311 : memref<128x64xf32, #tpu.memory_space<vmem>>)
    %dma_wait3A_318 = arith.constant 2 : i32
    %dma_wait3A_319 = arith.constant 256 : i32
    %dma_wait3A_320 = arith.constant 0 : i32
    %dma_wait3A_321 = tpu.memref_slice %arg7[%dma_wait3A_319, %dma_wait3A_320] : memref<512x64xf32, #tpu.memory_space<vmem>> -> memref<128x64xf32, #tpu.memory_space<vmem>>
    %dma_wait3A_322 = arith.constant 0 : i32
    %dma_wait3A_323 = tpu.memref_slice %arg6[%dma_wait3A_318, %dma_wait3A_322] : memref<4x128xi32, #tpu.memory_space<vmem>> -> memref<1x128xi32, #tpu.memory_space<vmem>>
    %dma_wait3A_324 = tpu.memref_squeeze %dma_wait3A_323 : memref<1x128xi32, #tpu.memory_space<vmem>> -> memref<128xi32, #tpu.memory_space<vmem>>
    %dma_wait3A_325 = arith.constant 0 : i32
    %dma_wait3A_326 = arith.constant 0 : i32
    %dma_wait3A_327 = tpu.memref_slice %arg2[%dma_wait3A_325, %dma_wait3A_326] : memref<1024x64xf32, #tpu.memory_space<hbm>> -> memref<1024x64xf32, #tpu.memory_space<hbm>>
    tpu.wait_indirect_dma semaphore(%arg9 : memref<!tpu.dma_semaphore, #tpu.memory_space<semaphore_mem>>) src(%dma_wait3A_327 : memref<1024x64xf32, #tpu.memory_space<hbm>>) dst(%dma_wait3A_321 : memref<128x64xf32, #tpu.memory_space<vmem>>)
    %dma_wait3A_328 = arith.constant 3 : i32
    %dma_wait3A_329 = arith.constant 384 : i32
    %dma_wait3A_330 = arith.constant 0 : i32
    %dma_wait3A_331 = tpu.memref_slice %arg7[%dma_wait3A_329, %dma_wait3A_330] : memref<512x64xf32, #tpu.memory_space<vmem>> -> memref<128x64xf32, #tpu.memory_space<vmem>>
    %dma_wait3A_332 = arith.constant 0 : i32
    %dma_wait3A_333 = tpu.memref_slice %arg6[%dma_wait3A_328, %dma_wait3A_332] : memref<4x128xi32, #tpu.memory_space<vmem>> -> memref<1x128xi32, #tpu.memory_space<vmem>>
    %dma_wait3A_334 = tpu.memref_squeeze %dma_wait3A_333 : memref<1x128xi32, #tpu.memory_space<vmem>> -> memref<128xi32, #tpu.memory_space<vmem>>
    %dma_wait3A_335 = arith.constant 0 : i32
    %dma_wait3A_336 = arith.constant 0 : i32
    %dma_wait3A_337 = tpu.memref_slice %arg2[%dma_wait3A_335, %dma_wait3A_336] : memref<1024x64xf32, #tpu.memory_space<hbm>> -> memref<1024x64xf32, #tpu.memory_space<hbm>>
    tpu.wait_indirect_dma semaphore(%arg9 : memref<!tpu.dma_semaphore, #tpu.memory_space<semaphore_mem>>) src(%dma_wait3A_337 : memref<1024x64xf32, #tpu.memory_space<hbm>>) dst(%dma_wait3A_331 : memref<128x64xf32, #tpu.memory_space<vmem>>)
    %mul3A_338 = arith.constant 512 : i32
    %mul3A_339 = arith.muli %add3A, %mul3A_338 : i32
    "tpu.region"() ({
      %run_scoped3A = tpu.sem_alloc : memref<!tpu.dma_semaphore, #tpu.memory_space<semaphore_mem>>
      %dma_start3A_340 = arith.constant 0 : i32
      %dma_start3A_341 = tpu.memref_slice %arg4[%mul3A_339, %dma_start3A_340] : memref<16384x64xf32, #tpu.memory_space<hbm>> -> memref<512x64xf32, #tpu.memory_space<hbm>>
      %dma_start3A_342 = arith.constant 0 : i32
      %dma_start3A_343 = tpu.memref_slice %arg4[%mul3A_339, %dma_start3A_342] : memref<16384x64xf32, #tpu.memory_space<hbm>> -> memref<512x64xf32, #tpu.memory_space<hbm>>
      tpu.enqueue_dma source(%arg7 : memref<512x64xf32, #tpu.memory_space<vmem>>) target(%dma_start3A_343 : memref<512x64xf32, #tpu.memory_space<hbm>>) target_semaphore(%run_scoped3A : memref<!tpu.dma_semaphore, #tpu.memory_space<semaphore_mem>>)
      %dma_wait3A_344 = arith.constant 0 : i32
      %dma_wait3A_345 = tpu.memref_slice %arg4[%mul3A_339, %dma_wait3A_344] : memref<16384x64xf32, #tpu.memory_space<hbm>> -> memref<512x64xf32, #tpu.memory_space<hbm>>
      %dma_wait3A_346 = arith.constant 0 : i32
      %dma_wait3A_347 = tpu.memref_slice %arg4[%mul3A_339, %dma_wait3A_346] : memref<16384x64xf32, #tpu.memory_space<hbm>> -> memref<512x64xf32, #tpu.memory_space<hbm>>
      tpu.wait_dma2 semaphore(%run_scoped3A : memref<!tpu.dma_semaphore, #tpu.memory_space<semaphore_mem>>) src(%arg7 : memref<512x64xf32, #tpu.memory_space<vmem>>) dst(%dma_wait3A_347 : memref<512x64xf32, #tpu.memory_space<hbm>>)
      tpu.yield
    }) : () -> ()
    return
  }
}

module attributes {stable_mosaic.version = 14 : i64} {
  func.func @_k1_body(%arg0: i32, %arg1: memref<4096x64xf32, #tpu.memory_space<vmem>>, %arg2: memref<1024x64xf32, #tpu.memory_space<vmem>>, %arg3: memref<4096x1xi32, #tpu.memory_space<vmem>>, %arg4: memref<1x1xf32, #tpu.memory_space<vmem>>, %arg5: memref<1x1024xf32, #tpu.memory_space<vmem>>, %arg6: memref<1024x64xf32, #tpu.memory_space<vmem>>) attributes {dimension_semantics = [#tpu.dimension_semantics<arbitrary>], iteration_bounds = array<i64: 4>, scalar_prefetch = 0 : i64, scratch_operands = 2 : i64, tpu.core_type = #tpu.core_type<tc>, window_params = [{transform_indices = @transform_0, window_bounds = array<i64: 4096, 64>}, {pipeline_mode = #tpu.pipeline_mode<synchronous>, transform_indices = @transform_1, window_bounds = array<i64: 1024, 64>}, {transform_indices = @transform_2, window_bounds = array<i64: 4096, 1>}, {pipeline_mode = #tpu.pipeline_mode<synchronous>, transform_indices = @transform_3, window_bounds = array<i64: 1, 1>}]} {
    %get3A = arith.constant 0 : index
    %get3A_0 = arith.constant 0 : index
    %get3A_1 = vector.load %arg1[%get3A, %get3A_0] : memref<4096x64xf32, #tpu.memory_space<vmem>>, vector<4096x64xf32>
    %get3A_2 = arith.constant 0 : index
    %get3A_3 = arith.constant 0 : index
    %get3A_4 = vector.load %arg2[%get3A_2, %get3A_3] : memref<1024x64xf32, #tpu.memory_space<vmem>>, vector<1024x64xf32>
    %mul3A = arith.mulf %get3A_1, %get3A_1 : vector<4096x64xf32>
    %reduce_sum3A = arith.constant dense<0.000000e+00> : vector<4096xf32>
    %reduce_sum3A_5 = vector.multi_reduction <add>, %mul3A, %reduce_sum3A [1] : vector<4096x64xf32> to vector<4096xf32>
    %broadcast_in_dim3A = vector.shape_cast %reduce_sum3A_5 : vector<4096xf32> to vector<4096x1xf32>
    %eq3A = arith.constant 0 : i32
    %eq3A_6 = arith.cmpi eq, %arg0, %eq3A : i32
    %convert_element_type3A = arith.extui %eq3A_6 : i1 to i32
    %cond3A = arith.constant 0 : i32
    %cond3A_7 = arith.cmpi ne, %convert_element_type3A, %cond3A : i32
    scf.if %cond3A_7 {
      %mul3A_42 = arith.mulf %get3A_4, %get3A_4 : vector<1024x64xf32>
      %reduce_sum3A_43 = arith.constant dense<0.000000e+00> : vector<1024xf32>
      %reduce_sum3A_44 = vector.multi_reduction <add>, %mul3A_42, %reduce_sum3A_43 [1] : vector<1024x64xf32> to vector<1024xf32>
      %broadcast_in_dim3A_45 = vector.shape_cast %reduce_sum3A_44 : vector<1024xf32> to vector<1x1024xf32>
      %swap3A_46 = arith.constant 0 : index
      %swap3A_47 = arith.constant 0 : index
      %swap3A_48 = vector.load %arg5[%swap3A_46, %swap3A_47] : memref<1x1024xf32, #tpu.memory_space<vmem>>, vector<1x1024xf32>
      tpu.vector_store %arg5[%swap3A_46, %swap3A_47], %broadcast_in_dim3A_45 {strides = array<i32>} : memref<1x1024xf32, #tpu.memory_space<vmem>>, vector<1x1024xf32>,
      %add3A_49 = arith.addf %get3A_4, %get3A_4 : vector<1024x64xf32>
      %swap3A_50 = arith.constant 0 : index
      %swap3A_51 = arith.constant 0 : index
      %swap3A_52 = vector.load %arg6[%swap3A_50, %swap3A_51] : memref<1024x64xf32, #tpu.memory_space<vmem>>, vector<1024x64xf32>
      tpu.vector_store %arg6[%swap3A_50, %swap3A_51], %add3A_49 {strides = array<i32>} : memref<1024x64xf32, #tpu.memory_space<vmem>>, vector<1024x64xf32>,
    } else {
    }
    %get3A_8 = arith.constant 0 : index
    %get3A_9 = arith.constant 0 : index
    %get3A_10 = vector.load %arg5[%get3A_8, %get3A_9] : memref<1x1024xf32, #tpu.memory_space<vmem>>, vector<1x1024xf32>
    %get3A_11 = arith.constant 0 : index
    %get3A_12 = arith.constant 0 : index
    %get3A_13 = vector.load %arg6[%get3A_11, %get3A_12] : memref<1024x64xf32, #tpu.memory_space<vmem>>, vector<1024x64xf32>
    %dot_general3A = arith.constant dense<0.000000e+00> : vector<4096x1024xf32>
    %dot_general3A_14 = tpu.matmul %get3A_1, %get3A_13, %dot_general3A {dimension_numbers = #tpu.dot_dimension_numbers<[1], [1], [0], [0], [0, 0, 1, 0], [], []>, transpose_lhs_hint = false} : vector<4096x64xf32>, vector<1024x64xf32>, vector<4096x1024xf32> -> vector<4096x1024xf32>
    %add3A = vector.broadcast %broadcast_in_dim3A : vector<4096x1xf32> to vector<4096x1024xf32>
    %add3A_15 = vector.broadcast %get3A_10 : vector<1x1024xf32> to vector<4096x1024xf32>
    %add3A_16 = arith.addf %add3A, %add3A_15 : vector<4096x1024xf32>
    %sub3A = arith.subf %add3A_16, %dot_general3A_14 : vector<4096x1024xf32>
    %max3A = arith.constant 0.000000e+00 : f32
    %max3A_17 = vector.broadcast %max3A : f32 to vector<4096x1024xf32>
    %max3A_18 = arith.maximumf %sub3A, %max3A_17 : vector<4096x1024xf32>
    %sqrt3A = math.sqrt %max3A_18 : vector<4096x1024xf32>
    %reduce_min3A = arith.constant dense<0x7F800000> : vector<4096xf32>
    %reduce_min3A_19 = vector.multi_reduction <minimumf>, %sqrt3A, %reduce_min3A [1] : vector<4096x1024xf32> to vector<4096xf32>
    %broadcast_in_dim3A_20 = vector.shape_cast %reduce_min3A_19 : vector<4096xf32> to vector<4096x1xf32>
    %iota3A = tpu.iota {dimensions = array<i32: 1>} : vector<4096x1024xi32>
    %eq3A_21 = vector.broadcast %broadcast_in_dim3A_20 : vector<4096x1xf32> to vector<4096x1024xf32>
    %eq3A_22 = arith.cmpf oeq, %sqrt3A, %eq3A_21 : vector<4096x1024xf32>
    %jit3A = arith.constant 1024 : i32
    %broadcast_in_dim3A_23 = vector.broadcast %jit3A : i32 to vector<4096x1024xi32>
    %select_n3A = arith.select %eq3A_22, %iota3A, %broadcast_in_dim3A_23 : vector<4096x1024xi1>, vector<4096x1024xi32>
    %reduce_min3A_24 = arith.constant dense<2147483647> : vector<4096xi32>
    %reduce_min3A_25 = vector.multi_reduction <minsi>, %select_n3A, %reduce_min3A_24 [1] : vector<4096x1024xi32> to vector<4096xi32>
    %broadcast_in_dim3A_26 = vector.shape_cast %reduce_min3A_25 : vector<4096xi32> to vector<4096x1xi32>
    %swap3A = arith.constant 0 : index
    %swap3A_27 = arith.constant 0 : index
    %swap3A_28 = vector.load %arg3[%swap3A, %swap3A_27] : memref<4096x1xi32, #tpu.memory_space<vmem>>, vector<4096x1xi32>
    tpu.vector_store %arg3[%swap3A, %swap3A_27], %broadcast_in_dim3A_26 {strides = array<i32>} : memref<4096x1xi32, #tpu.memory_space<vmem>>, vector<4096x1xi32>,
    %mul3A_29 = arith.mulf %broadcast_in_dim3A_20, %broadcast_in_dim3A_20 : vector<4096x1xf32>
    %reduce_sum3A_30 = arith.constant dense<0.000000e+00> : vector<1xf32>
    %reduce_sum3A_31 = vector.multi_reduction <add>, %mul3A_29, %reduce_sum3A_30 [0] : vector<4096x1xf32> to vector<1xf32>
    %broadcast_in_dim3A_32 = vector.shape_cast %reduce_sum3A_31 : vector<1xf32> to vector<1x1xf32>
    %eq3A_33 = arith.constant 0 : i32
    %eq3A_34 = arith.cmpi eq, %arg0, %eq3A_33 : i32
    %convert_element_type3A_35 = arith.extui %eq3A_34 : i1 to i32
    %cond3A_36 = arith.constant 0 : i32
    %cond3A_37 = arith.cmpi ne, %convert_element_type3A_35, %cond3A_36 : i32
    scf.if %cond3A_37 {
      %swap3A_42 = arith.constant 0 : index
      %swap3A_43 = arith.constant 0 : index
      %swap3A_44 = vector.load %arg4[%swap3A_42, %swap3A_43] : memref<1x1xf32, #tpu.memory_space<vmem>>, vector<1x1xf32>
      tpu.vector_store %arg4[%swap3A_42, %swap3A_43], %broadcast_in_dim3A_32 {strides = array<i32>} : memref<1x1xf32, #tpu.memory_space<vmem>>, vector<1x1xf32>,
    } else {
    }
    %gt3A = arith.constant 0 : i32
    %gt3A_38 = arith.cmpi sgt, %arg0, %gt3A : i32
    %convert_element_type3A_39 = arith.extui %gt3A_38 : i1 to i32
    %cond3A_40 = arith.constant 0 : i32
    %cond3A_41 = arith.cmpi ne, %convert_element_type3A_39, %cond3A_40 : i32
    scf.if %cond3A_41 {
      %get3A_42 = arith.constant 0 : index
      %get3A_43 = arith.constant 0 : index
      %get3A_44 = vector.load %arg4[%get3A_42, %get3A_43] : memref<1x1xf32, #tpu.memory_space<vmem>>, vector<1x1xf32>
      %add3A_45 = arith.addf %get3A_44, %broadcast_in_dim3A_32 : vector<1x1xf32>
      %swap3A_46 = arith.constant 0 : index
      %swap3A_47 = arith.constant 0 : index
      %swap3A_48 = vector.load %arg4[%swap3A_46, %swap3A_47] : memref<1x1xf32, #tpu.memory_space<vmem>>, vector<1x1xf32>
      tpu.vector_store %arg4[%swap3A_46, %swap3A_47], %add3A_45 {strides = array<i32>} : memref<1x1xf32, #tpu.memory_space<vmem>>, vector<1x1xf32>,
    } else {
    }
    return
  }
  func.func @transform_0(%arg0: i32) -> (i32, i32) {
    %add3A = arith.constant 0 : i32
    %add3A_0 = arith.addi %arg0, %add3A : i32
    %c0_i32 = arith.constant 0 : i32
    %c0_i32_1 = arith.constant 0 : i32
    return %add3A_0, %c0_i32 : i32, i32
  }
  func.func @transform_1(%arg0: i32) -> (i32, i32) {
    %c0_i32 = arith.constant 0 : i32
    %c0_i32_0 = arith.constant 0 : i32
    %c0_i32_1 = arith.constant 0 : i32
    return %c0_i32, %c0_i32_0 : i32, i32
  }
  func.func @transform_2(%arg0: i32) -> (i32, i32) {
    %c0_i32 = arith.constant 0 : i32
    %c0_i32_0 = arith.constant 0 : i32
    return %arg0, %c0_i32 : i32, i32
  }
  func.func @transform_3(%arg0: i32) -> (i32, i32) {
    %c0_i32 = arith.constant 0 : i32
    %c0_i32_0 = arith.constant 0 : i32
    %c0_i32_1 = arith.constant 0 : i32
    return %c0_i32, %c0_i32_0 : i32, i32
  }
}

</mosaic_0001>

<sc_bundles>
// kernel: kernel.4.cloned.1.call-start
scs
__scs_entry_jumppad:
0x0: {  	(pc) =	sbr.rel $0x88, $3  }
0x1: {  	(tag) =	ssettag $0x0;
	lr =	simm.s32 $0x1  }
0x2: {  	[smem:$0x3F9F] =	sst lr;
	_ =	strace $0xD0000000  }
0x3: {  	_ = 	snop  }
0x4: {  	_ = 	snop  }
0x5: {  	_ = 	snop  }
0x6: {  	_ = 	snop  }
0x7: {  	_ = 	snop  }
__scs_overlays_trampoline_lowered:
0x8: {  	[smem:$0x3FAE] =	sst s0  }
0x9: {  	[smem:$0x3FAF] =	sst s1  }
0xa: {  	[smem:$0x3FB0] =	sst s2  }
0xb: {  	[smem:$0x3FB1] =	sst s3  }
0xc: {  	[smem:$0x3FB2] =	sst s4  }
0xd: {  	[smem:$0x3FB3] =	sst s5  }
0xe: {  	[smem:$0x3FB4] =	sst s6  }
0xf: {  	[smem:$0x3FB5] =	sst s7  }
0x10: {  	[smem:$0x3FB6] =	sst s8  }
0x11: {  	[smem:$0x3FB7] =	sst s9;
	s0 =	simm.s32 @!p0 $0x0  }
0x12: {  	s1 =	sld [smem:$0x3F9D];
	s0 =	simm.s32 @p0 $0x1  }
0x13: {  	[smem:$0x3FB8] =	sst s0;
	s0 =	simm.s32 @!p1 $0x0  }
0x14: {  	s2 =	sld [smem:$0x3F9C];
	s0 =	simm.s32 @p1 $0x1  }
0x15: {  	[smem:$0x3FB9] =	sst s0;
	s0 =	simm.s32 @!p2 $0x0  }
0x16: {  	s3 =	sld [smem:$0x3FDB];
	s0 =	simm.s32 @p2 $0x1  }
0x17: {  	s4 =	simm.s32 $0x1BF5;
	[smem:$0x3FBB] =	sst s0  }
0x18: {  	s0 =	sld [smem:$0x3F9E];
	_ =	swait.ge [sflag:s4], $0x0  }
0x19: {  	s7 =	sld [smem:$0x3F9F]  }
0x1a: {  	s8 =	sadd.s32 $0xFFFFE003, lr  }
0x1b: {  	s9 =	sadd.s32 $0xFFFFFEF7, lr;
	s5 =	simm.s32 $0xFFFFFFFF;
	p2 =	slt.u32 s8, $0xFFFFF086  }
0x1c: {  	p1 =	slt.u32 s9, $0xF7A;
	s5 =	simm.s32 @!p2 $0x0  }
0x1d: {  	s5 =	simm.s32 @p1 $0x1;
	p0 =	seq.s32 s7, s2  }
0x1e: {  	s7 =	smul.u32 @!p0 $0xF7A, s2;
	p2 =	seq.s32 @!p0 s5, $0x0  }
0x1f: {  	s9 =	smul.u32 $0xF7A, s1;
	s8 =	simm.s32 @!p0 $0x1BF5;
	p2 =	por !p2, p0  }
0x20: {  	[sflag:s8] =	ssyncset.s32 @!p0 $0xFFFFF086;
	s6 =	sadd.s32 @!p0 s3, s7;
	s7 =	simm.s32 @!p0 $0x108  }
0x21: {  	s3 =	sadd.s32 s3, s9;
	s6 =	sadd.s32 @!p0 $0x88, s6;
	s7 =	simm.s32 @p2 $0x1082  }
0x22: {  	[simem:s7], [sflag:s8] =	dma.local @!p0 [hbm:s6], $0xF7A  }
0x23: {  	s9 =	sor.u32 $0xD0000000, s2;
	s6 =	simm.s32 $0x108;
	_ =	swait.ge @!p0 [sflag:s8], $0x0  }
0x24: {  	s3 =	sadd.s32 $0x88, s3;
	s6 =	simm.s32 @!p1 $0x1082;
	[sflag:s4] =	ssyncset.s32 $0xFFFFF086  }
0x25: {  	[simem:s6], [sflag:s4] =	dma.local [hbm:s3], $0xF7A  }
0x26: {  	[smem:$0x3F9F] =	sst s1;
	(tag) =	ssettag s2;
	_ =	strace s9  }
0x27: {  	s1 =	sld [smem:$0x3FAF]  }
0x28: {  	s2 =	sld [smem:$0x3FB0]  }
0x29: {  	s4 =	sld [smem:$0x3FB2]  }
0x2a: {  	p0 =	seq.s32 s5, $0x0;
	s5 =	sld [smem:$0x3FB3]  }
0x2b: {  	s6 =	sld [smem:$0x3FB4]  }
0x2c: {  	s7 =	sld [smem:$0x3FB5]  }
0x2d: {  	s3 =	simm.s32 $0x108;
	s8 =	sld [smem:$0x3FB6]  }
0x2e: {  	s3 =	simm.s32 @!p0 $0x1082;
	s9 =	sld [smem:$0x3FB7]  }
0x2f: {  	lr =	sadd.s32 s0, s3;
	s0 =	sld [smem:$0x3FAE]  }
0x30: {  	s3 =	sld [smem:$0x3FB1]  }
0x31: {  	[smem:$0x3FBA] =	sst s10  }
0x32: {  	s10 =	sld [smem:$0x3FB8];
	_ =	sdelay $0x3  }
0x33: {  	p0 =	seq.s32 s10, $0x1;
	s10 =	sld [smem:$0x3FBA];
	_ =	sdelay $0x3  }
0x34: {  	[smem:$0x3FBA] =	sst s10  }
0x35: {  	s10 =	sld [smem:$0x3FB9];
	_ =	sdelay $0x3  }
0x36: {  	p1 =	seq.s32 s10, $0x1;
	s10 =	sld [smem:$0x3FBA];
	_ =	sdelay $0x3  }
0x37: {  	[smem:$0x3FBA] =	sst s10  }
0x38: {  	s10 =	sld [smem:$0x3FBB]  }
0x39: {  	_ = 	snop;
	(pc) =	sbr.ind lr, $3  }
0x3a: {  	_ = 	snop  }
0x3b: {  	_ = 	snop  }
0x3c: {  	p2 =	seq.s32 s10, $0x1;
	s10 =	sld [smem:$0x3FBA]  }
0x3d: {  	_ =	shalt  }
0x3e: {  	_ =	shalt  }
0x3f: {  	_ =	shalt  }
0x40: {  	_ =	shalt  }
0x41: {  	_ =	shalt  }
0x42: {  	_ =	shalt  }
0x43: {  	_ =	shalt  }
0x44: {  	_ =	shalt  }
0x45: {  	_ =	shalt  }
0x46: {  	_ =	shalt  }
0x47: {  	_ =	shalt  }
0x48: {  	_ =	shalt  }
0x49: {  	_ =	shalt  }
0x4a: {  	_ =	shalt  }
0x4b: {  	_ =	shalt  }
0x4c: {  	_ =	shalt  }
0x4d: {  	_ =	shalt  }
0x4e: {  	_ =	shalt  }
0x4f: {  	_ =	shalt  }
0x50: {  	_ =	shalt  }
0x51: {  	_ =	shalt  }
0x52: {  	_ =	shalt  }
0x53: {  	_ =	shalt  }
0x54: {  	_ =	shalt  }
0x55: {  	_ =	shalt  }
0x56: {  	_ =	shalt  }
0x57: {  	_ =	shalt  }
0x58: {  	_ =	shalt  }
0x59: {  	_ =	shalt  }
0x5a: {  	_ =	shalt  }
0x5b: {  	_ =	shalt  }
0x5c: {  	_ =	shalt  }
0x5d: {  	_ =	shalt  }
0x5e: {  	_ =	shalt  }
0x5f: {  	_ =	shalt  }
0x60: {  	_ =	shalt  }
0x61: {  	_ =	shalt  }
0x62: {  	_ =	shalt  }
0x63: {  	_ =	shalt  }
0x64: {  	_ =	shalt  }
0x65: {  	_ =	shalt  }
0x66: {  	_ =	shalt  }
0x67: {  	_ =	shalt  }
0x68: {  	_ =	shalt  }
0x69: {  	_ =	shalt  }
0x6a: {  	_ =	shalt  }
0x6b: {  	_ =	shalt  }
0x6c: {  	_ =	shalt  }
0x6d: {  	_ =	shalt  }
0x6e: {  	_ =	shalt  }
0x6f: {  	_ =	shalt  }
0x70: {  	_ =	shalt  }
0x71: {  	_ =	shalt  }
0x72: {  	_ =	shalt  }
0x73: {  	_ =	shalt  }
0x74: {  	_ =	shalt  }
0x75: {  	_ =	shalt  }
0x76: {  	_ =	shalt  }
0x77: {  	_ =	shalt  }
0x78: {  	_ =	shalt  }
0x79: {  	_ =	shalt  }
0x7a: {  	_ =	shalt  }
0x7b: {  	_ =	shalt  }
0x7c: {  	_ =	shalt  }
0x7d: {  	_ =	shalt  }
0x7e: {  	_ =	shalt  }
0x7f: {  	_ =	shalt  }
0x80: {  	_ =	shalt  }
0x81: {  	_ =	shalt  }
0x82: {  	_ =	shalt  }
0x83: {  	_ =	shalt  }
0x84: {  	_ =	shalt  }
0x85: {  	_ =	shalt  }
0x86: {  	_ =	shalt  }
0x87: {  	_ =	shalt  }
.Lfunc_end0:
.L_simem_size_0:
called_computation_lowered:
.L_overlay_start_0:
0x88: {  	s2 =	sld [smem:$0x3FD9]  }
0x89: {  	s3 =	sld [smem:$0x3FFE];
	_ =	sdelay $0x1  }
0x8a: {  	s1 =	srdreg.scid  }
0x8b: {  	s0 =	sand.u32 $0x1, s1  }
0x8c: {  	s14 =	sshll.u32 s0, $0xA;
	s2 =	sadd.s32 s3, s2  }
0x8d: {  	s2 =	sadd.s32 s2, s14  }
0x8e: {  	[smem:$0x3FC6] =	sst s2  }
0x8f: {  	_ = 	snop  }
0x90: {  	s2 =	sld [smem:$0x3FD0];
	_ =	sdelay $0x2  }
0x91: {  	s15 =	simm.s32 $0xA;
	s4 =	simm.s32 $0x10  }
0x92: {  	[smem:s4], [sflag:s15] =	dma.local [hbm:s2], $0x1  }
0x93: {  	_ =	swait.eq [sflag:s15], $0x1  }
0x94: {  	[sflag:s15] =	ssyncset.done $0x0  }
0x95: {  	s16 =	sld [smem:$0x10];
	[sflag:s15] =	ssyncadd.s32 $0xFFFFFFFF  }
0x96: {  	s17 =	sld [smem:$0x13];
	(tm) =	ssettm $0x1  }
0x97: {  	s18 =	sld [smem:$0x3FFB];
	_ =	sdelay $0x3  }
0x98: {  	_ =	strace s18  }
0x99: {  	s4 =	sld [smem:$0x3FFC];
	_ =	sdelay $0x3  }
0x9a: {  	_ =	strace s4  }
0x9b: {  	s4 =	sld [smem:$0x3FFD];
	_ =	sdelay $0x3  }
0x9c: {  	_ =	strace s4  }
0x9d: {  	_ =	strace $0x8FFFFFFF  }
0x9e: {  	s19 =	sld [smem:$0x3FDB];
	_ =	sdelay $0x1  }
0x9f: {  	s5 =	simm.s32 $_scs_section_size  }
0xa0: {  	s6 =	simm.s32 $_size__tile_overlayer_lowered;
	s7 =	simm.s32 $_tile_overlayer_lowered  }
0xa1: {  	s22 =	simm.s32 $0x1BFF;
	s21 =	sshll.u32 s7, $0x1;
	s4 =	sadd.s32 s5, s19  }
0xa2: {  	s8 =	simm.s32 $0x0;
	s20 =	sshll.u32 s6, $0x1;
	s6 =	sadd.s32 s21, s4  }
0xa3: {  	[timem:s8], [sflag:s22] =	dma.local [hbm:s6], s20  }
0xa4: {  	_ =	swait.ge [sflag:s22], s20  }
0xa5: {  	s5 =	ssub.s32 $0x0, s20;
	[sflag:s22] =	ssyncset.done $0x0  }
0xa6: {  	[sflag:s22] =	ssyncadd.s32 s5;
	_ =	sdelay $0x1  }
0xa7: {  	s23 =	simm.s32 $0x1B8B  }
0xa8: {  	_ =	swait.ge [sflag:s23], $0x1  }
0xa9: {  	[sflag:s23] =	ssyncset.done $0x0  }
0xaa: {  	s25 =	simm.s32 $0x1B8E;
	s24 =	sld [smem:$0x3FFE];
	[sflag:s23] =	ssyncadd.s32 $0xFFFFFFFF  }
0xab: {  	s26 =	simm.s32 $execute0_lowered;
	[smem:$0x3FD2] =	sst s25  }
0xac: {  	s6 =	sshll.u32 s26, $0x1;
	_ =	strace $0x80000046;
	[dreg:$0x1] =	wrdreg $0xFFFFFFFF  }
0xad: {  	s28 =	simm.s32 $_size_execute0_lowered;
	s4 =	sadd.s32 s4, s6;
	[dreg:$0x0] =	wrdreg $0x0  }
0xae: {  	s6 =	sshll.u32 s28, $0x1;
	[dreg:$0x2] =	wrdreg s4  }
0xaf: {  	[dreg:$0x3] =	wrdreg s6  }
0xb0: {  	[dreg:$0x4] =	wrdreg $0xC0  }
0xb1: {  	_ =	task [dreg:s8], $0x5FFFF  }
0xb2: {  	[dreg:$0x1] =	wrdreg $0xFFFFFFFF  }
0xb3: {  	[dreg:$0x0] =	wrdreg $0x60  }
0xb4: {  	[dreg:$0x2] =	wrdreg s16  }
0xb5: {  	[dreg:$0x3] =	wrdreg s17  }
0xb6: {  	[dreg:$0x4] =	wrdreg s24  }
0xb7: {  	[dreg:$0x5] =	wrdreg $0x9  }
0xb8: {  	_ =	task.clear_ibuf [dreg:s8], $0x6FFFF;
	_ =	strace $0x90000046  }
0xb9: {  	s29 =	simm.s32 $0x9;
	_ =	strace $0x80000048  }
0xba: {  	_ =	swait.ge [sflag:s29], $0x1  }
0xbb: {  	[sflag:s29] =	ssyncadd.s32 $0xFFFFFFFF  }
0xbc: {  	_ =	strace $0x90000048  }
0xbd: {  	_ =	sfence  }
0xbe: {  	s30 =	sld [smem:$0x0];
	_ =	sdelay $0x2  }
0xbf: {  	s31 =	sshll.u32 s1, $0xD;
	s1 =	sshrl.u32 s1, $0x2  }
0xc0: {  	s3 =	sand.u32 $0x4000, s31;
	s1 =	sadd.s32 s1, s30  }
0xc1: {  	s0 =	sor.u32 s3, s0;
	s1 =	sshll.u32 s1, $0x11  }
0xc2: {  	s0 =	sor.u32 s1, s0  }
0xc3: {  	s0 =	sadd.s32 $0x8F2B, s0  }
0xc4: {  	[sflag:s0] =	ssyncadd.remote.s32 $0x1  }
0xc5: {  	_ =	sfence.sel $0xFFFF  }
0xc6: {  	[dreg:$0x0] =	wrdreg $0xFFFFFFFF;
	(pc) =	sbr.abs _section_cstart, $3  }
0xc7: {  	[dreg:$0x1] =	wrdreg $0xFFFFFFFF  }
0xc8: {  	_ =	task.clear_ibuf [dreg:s8], $0x2FFFF;
	_ =	strace $0x9FFFFFFF  }
0xc9: {  	(tm) =	ssettm $0x7FFFFFFF  }
tec
execute0_lowered:
.L_overlay_start_1:
0x0: {  	(tag) =	ssettag $0x1  }
0x1: {  	s1 =	rddreg [dreg:$0x0]  }
0x2: {  	s4 =	rddreg [dreg:$0x1]  }
0x3: {  	s6 =	rddreg [dreg:$0x2]  }
0x4: {  	s0 =	rddreg [dreg:$0x3]  }
0x5: {  	s5 =	srdreg.scid;
	s2 =	stileid.u32  }
0x6: {  	s3 =	simm.s32 $0x0;
	s10 =	simm.s32 $0x200;
	s11 =	simm.s32 $0x2200  }
0x7: {  	s12 =	simm.s32 $0x100;
	s13 =	simm.s32 $0x4200;
	s14 =	simm.s32 $0x180  }
0x8: {  	s15 =	simm.s32 $0x6200;
	s16 =	simm.s32 $0x8200;
	s17 =	simm.s32 $0x1  }
0x9: {  	s5 =	sand.u32 $0x1, s5;
	s7 =	sshll.u32 s2, $0x1;
	[smem:$0x7FF] =	sst s3  }
0xa: {  	s7 =	sor.u32 s5, s7;
	s5 =	ssub.s32 $0x2, s5;
	_ =	strace $0x80000047  }
0xb: {  	s8 =	sshll.u32 s7, $0x7;
	s9 =	sshrl.u32 s5, $0x1;
	s31 =	sshll.u32 s7, $0x6  }
0xc: {  	s7 =	sshll.u32 s7, $0xC;
	s8 =	sadd.s32 s8, s6;
	s9 =	ssub.s32 s5, s9  }
0xd: {  	s4 =	sadd.s32 s4, s31;
	s6 =	sadd.s32 s6, s7;
	s5 =	sadd.s32 $0x20000, s8  }
0xe: {  	v0 =	vimm.s32 $0x0;
	v1 =	vimm.s32 $0x1;
	s7 =	smax.u32 s9, $0x1;
	s8 =	simm.s32 $0x2;
	s9 =	simm.s32 $0x80  }
.LBB2_1:
0xf: {  	[tilespmem:s3], [sflag:$0x2] =	stream.linear.gather [hbm4b:s4+s3], $0x200, $0x38;
	[tilespmem:$0x8600] =	vst v63  }
0x10: {  	_ =	swait.ge [sflag:s8], $0x200  }
0x11: {  	[sflag:s8] =	ssyncset.done $0x0  }
0x12: {  	[sflag:s8] =	ssyncadd.s32 $0xFFFFFE00  }
0x13: {  	[tilespmem:s10], [sflag:$0x1] =	stream.indirect.gather [hbm4b:s1+s9], $0x40, s3, s9, $0xb8;
	[tilespmem:$0x8600] =	vst v63  }
0x14: {  	_ = 	snop  }
0x15: {  	[tilespmem:s11], [sflag:$0x1] =	stream.indirect.gather [hbm4b:s1+s9], $0x40, s9, s9, $0xb8;
	[tilespmem:$0x8600] =	vst v63  }
0x16: {  	_ = 	snop  }
0x17: {  	[tilespmem:s13], [sflag:$0x1] =	stream.indirect.gather [hbm4b:s1+s9], $0x40, s12, s9, $0xb8;
	[tilespmem:$0x8600] =	vst v63  }
0x18: {  	_ = 	snop  }
0x19: {  	[tilespmem:s15], [sflag:$0x1] =	stream.indirect.gather [hbm4b:s1+s9], $0x40, s14, s9, $0xb8;
	[tilespmem:$0x8600] =	vst v63  }
0x1a: {  	[tilespmem:$0x8200] =	vst v0  }
0x1b: {  	[tilespmem:$0x8210] =	vst v0  }
0x1c: {  	[tilespmem:$0x8220] =	vst v0  }
0x1d: {  	[tilespmem:$0x8230] =	vst v0  }
0x1e: {  	[tilespmem:$0x8240] =	vst v0  }
0x1f: {  	[tilespmem:$0x8250] =	vst v0  }
0x20: {  	[tilespmem:$0x8260] =	vst v0  }
0x21: {  	[tilespmem:$0x8270] =	vst v0  }
0x22: {  	[tilespmem:$0x8280] =	vst v0  }
0x23: {  	[tilespmem:$0x8290] =	vst v0  }
0x24: {  	[tilespmem:$0x82A0] =	vst v0  }
0x25: {  	[tilespmem:$0x82B0] =	vst v0  }
0x26: {  	[tilespmem:$0x82C0] =	vst v0  }
0x27: {  	[tilespmem:$0x82D0] =	vst v0  }
0x28: {  	[tilespmem:$0x82E0] =	vst v0  }
0x29: {  	[tilespmem:$0x82F0] =	vst v0  }
0x2a: {  	[tilespmem:$0x8300] =	vst v0  }
0x2b: {  	[tilespmem:$0x8310] =	vst v0  }
0x2c: {  	[tilespmem:$0x8320] =	vst v0  }
0x2d: {  	[tilespmem:$0x8330] =	vst v0  }
0x2e: {  	[tilespmem:$0x8340] =	vst v0  }
0x2f: {  	[tilespmem:$0x8350] =	vst v0  }
0x30: {  	[tilespmem:$0x8360] =	vst v0  }
0x31: {  	[tilespmem:$0x8370] =	vst v0  }
0x32: {  	[tilespmem:$0x8380] =	vst v0  }
0x33: {  	[tilespmem:$0x8390] =	vst v0  }
0x34: {  	[tilespmem:$0x83A0] =	vst v0  }
0x35: {  	[tilespmem:$0x83B0] =	vst v0  }
0x36: {  	[tilespmem:$0x83C0] =	vst v0  }
0x37: {  	[tilespmem:$0x83D0] =	vst v0  }
0x38: {  	[tilespmem:$0x83E0] =	vst v0  }
0x39: {  	[tilespmem:$0x83F0] =	vst v0  }
0x3a: {  	[tilespmem:$0x8400] =	vst v0  }
0x3b: {  	[tilespmem:$0x8410] =	vst v0  }
0x3c: {  	[tilespmem:$0x8420] =	vst v0  }
0x3d: {  	[tilespmem:$0x8430] =	vst v0  }
0x3e: {  	[tilespmem:$0x8440] =	vst v0  }
0x3f: {  	[tilespmem:$0x8450] =	vst v0  }
0x40: {  	[tilespmem:$0x8460] =	vst v0  }
0x41: {  	[tilespmem:$0x8470] =	vst v0  }
0x42: {  	[tilespmem:$0x8480] =	vst v0  }
0x43: {  	[tilespmem:$0x8490] =	vst v0  }
0x44: {  	[tilespmem:$0x84A0] =	vst v0  }
0x45: {  	[tilespmem:$0x84B0] =	vst v0  }
0x46: {  	[tilespmem:$0x84C0] =	vst v0  }
0x47: {  	[tilespmem:$0x84D0] =	vst v0  }
0x48: {  	[tilespmem:$0x84E0] =	vst v0  }
0x49: {  	[tilespmem:$0x84F0] =	vst v0  }
0x4a: {  	[tilespmem:$0x8500] =	vst v0  }
0x4b: {  	[tilespmem:$0x8510] =	vst v0  }
0x4c: {  	[tilespmem:$0x8520] =	vst v0  }
0x4d: {  	[tilespmem:$0x8530] =	vst v0  }
0x4e: {  	[tilespmem:$0x8540] =	vst v0  }
0x4f: {  	[tilespmem:$0x8550] =	vst v0  }
0x50: {  	[tilespmem:$0x8560] =	vst v0  }
0x51: {  	[tilespmem:$0x8570] =	vst v0  }
0x52: {  	[tilespmem:$0x8580] =	vst v0;
	v2 =	vld [tilespmem:$0x0]  }
0x53: {  	[tilespmem:$0x8590] =	vst v0  }
0x54: {  	[tilespmem:$0x85A0] =	vst v0  }
0x55: {  	[tilespmem:$0x85B0] =	vst v0  }
0x56: {  	[tilespmem:$0x85C0] =	vst v0  }
0x57: {  	[tilespmem:$0x85D0] =	vst v0  }
0x58: {  	[tilespmem:$0x85E0] =	vst v0  }
0x59: {  	[tilespmem:$0x85F0] =	vst v0  }
0x5a: {  	[tilespmem:v2+s16+$0x0] =	vst.idx.add.s32.msk $0xffff, v1  }
0x5b: {  	v2 =	vld [tilespmem:$0x10];
	_ =	sdelay $0x7  }
0x5c: {  	[tilespmem:v2+s16+$0x0] =	vst.idx.add.s32.msk $0xffff, v1  }
0x5d: {  	v2 =	vld [tilespmem:$0x20];
	_ =	sdelay $0x7  }
0x5e: {  	[tilespmem:v2+s16+$0x0] =	vst.idx.add.s32.msk $0xffff, v1  }
0x5f: {  	v2 =	vld [tilespmem:$0x30];
	_ =	sdelay $0x7  }
0x60: {  	[tilespmem:v2+s16+$0x0] =	vst.idx.add.s32.msk $0xffff, v1  }
0x61: {  	v2 =	vld [tilespmem:$0x40];
	_ =	sdelay $0x7  }
0x62: {  	[tilespmem:v2+s16+$0x0] =	vst.idx.add.s32.msk $0xffff, v1  }
0x63: {  	v2 =	vld [tilespmem:$0x50];
	_ =	sdelay $0x7  }
0x64: {  	[tilespmem:v2+s16+$0x0] =	vst.idx.add.s32.msk $0xffff, v1  }
0x65: {  	v2 =	vld [tilespmem:$0x60];
	_ =	sdelay $0x7  }
0x66: {  	[tilespmem:v2+s16+$0x0] =	vst.idx.add.s32.msk $0xffff, v1  }
0x67: {  	v2 =	vld [tilespmem:$0x70];
	_ =	sdelay $0x7  }
0x68: {  	[tilespmem:v2+s16+$0x0] =	vst.idx.add.s32.msk $0xffff, v1  }
0x69: {  	v2 =	vld [tilespmem:$0x80];
	_ =	sdelay $0x7  }
0x6a: {  	[tilespmem:v2+s16+$0x0] =	vst.idx.add.s32.msk $0xffff, v1  }
0x6b: {  	v2 =	vld [tilespmem:$0x90];
	_ =	sdelay $0x7  }
0x6c: {  	[tilespmem:v2+s16+$0x0] =	vst.idx.add.s32.msk $0xffff, v1  }
0x6d: {  	v2 =	vld [tilespmem:$0xA0];
	_ =	sdelay $0x7  }
0x6e: {  	[tilespmem:v2+s16+$0x0] =	vst.idx.add.s32.msk $0xffff, v1  }
0x6f: {  	v2 =	vld [tilespmem:$0xB0];
	_ =	sdelay $0x7  }
0x70: {  	[tilespmem:v2+s16+$0x0] =	vst.idx.add.s32.msk $0xffff, v1  }
0x71: {  	v2 =	vld [tilespmem:$0xC0];
	_ =	sdelay $0x7  }
0x72: {  	[tilespmem:v2+s16+$0x0] =	vst.idx.add.s32.msk $0xffff, v1  }
0x73: {  	v2 =	vld [tilespmem:$0xD0];
	_ =	sdelay $0x7  }
0x74: {  	[tilespmem:v2+s16+$0x0] =	vst.idx.add.s32.msk $0xffff, v1  }
0x75: {  	v2 =	vld [tilespmem:$0xE0];
	_ =	sdelay $0x7  }
0x76: {  	[tilespmem:v2+s16+$0x0] =	vst.idx.add.s32.msk $0xffff, v1  }
0x77: {  	v2 =	vld [tilespmem:$0xF0];
	_ =	sdelay $0x7  }
0x78: {  	[tilespmem:v2+s16+$0x0] =	vst.idx.add.s32.msk $0xffff, v1  }
0x79: {  	v2 =	vld [tilespmem:$0x100];
	_ =	sdelay $0x7  }
0x7a: {  	[tilespmem:v2+s16+$0x0] =	vst.idx.add.s32.msk $0xffff, v1  }
0x7b: {  	v2 =	vld [tilespmem:$0x110];
	_ =	sdelay $0x7  }
0x7c: {  	[tilespmem:v2+s16+$0x0] =	vst.idx.add.s32.msk $0xffff, v1  }
0x7d: {  	v2 =	vld [tilespmem:$0x120];
	_ =	sdelay $0x7  }
0x7e: {  	[tilespmem:v2+s16+$0x0] =	vst.idx.add.s32.msk $0xffff, v1  }
0x7f: {  	v2 =	vld [tilespmem:$0x130];
	_ =	sdelay $0x7  }
0x80: {  	[tilespmem:v2+s16+$0x0] =	vst.idx.add.s32.msk $0xffff, v1  }
0x81: {  	v2 =	vld [tilespmem:$0x140];
	_ =	sdelay $0x7  }
0x82: {  	[tilespmem:v2+s16+$0x0] =	vst.idx.add.s32.msk $0xffff, v1  }
0x83: {  	v2 =	vld [tilespmem:$0x150];
	_ =	sdelay $0x7  }
0x84: {  	[tilespmem:v2+s16+$0x0] =	vst.idx.add.s32.msk $0xffff, v1  }
0x85: {  	v2 =	vld [tilespmem:$0x160];
	_ =	sdelay $0x7  }
0x86: {  	[tilespmem:v2+s16+$0x0] =	vst.idx.add.s32.msk $0xffff, v1  }
0x87: {  	v2 =	vld [tilespmem:$0x170];
	_ =	sdelay $0x7  }
0x88: {  	[tilespmem:v2+s16+$0x0] =	vst.idx.add.s32.msk $0xffff, v1  }
0x89: {  	v2 =	vld [tilespmem:$0x180];
	_ =	sdelay $0x7  }
0x8a: {  	[tilespmem:v2+s16+$0x0] =	vst.idx.add.s32.msk $0xffff, v1  }
0x8b: {  	v2 =	vld [tilespmem:$0x190];
	_ =	sdelay $0x7  }
0x8c: {  	[tilespmem:v2+s16+$0x0] =	vst.idx.add.s32.msk $0xffff, v1  }
0x8d: {  	v2 =	vld [tilespmem:$0x1A0];
	_ =	sdelay $0x7  }
0x8e: {  	[tilespmem:v2+s16+$0x0] =	vst.idx.add.s32.msk $0xffff, v1  }
0x8f: {  	v2 =	vld [tilespmem:$0x1B0];
	_ =	sdelay $0x7  }
0x90: {  	[tilespmem:v2+s16+$0x0] =	vst.idx.add.s32.msk $0xffff, v1  }
0x91: {  	v2 =	vld [tilespmem:$0x1C0];
	_ =	sdelay $0x7  }
0x92: {  	[tilespmem:v2+s16+$0x0] =	vst.idx.add.s32.msk $0xffff, v1  }
0x93: {  	v2 =	vld [tilespmem:$0x1D0];
	_ =	sdelay $0x7  }
0x94: {  	[tilespmem:v2+s16+$0x0] =	vst.idx.add.s32.msk $0xffff, v1  }
0x95: {  	v2 =	vld [tilespmem:$0x1E0];
	_ =	sdelay $0x7  }
0x96: {  	[tilespmem:v2+s16+$0x0] =	vst.idx.add.s32.msk $0xffff, v1  }
0x97: {  	v2 =	vld [tilespmem:$0x1F0];
	_ =	sdelay $0x7  }
0x98: {  	[tilespmem:v2+s16+$0x0] =	vst.idx.add.s32.msk $0xffff, v1  }
0x99: {  	[hbm4b:s5+s3] =	stream.linear.scatter [tilespmem:s16], [sflag:$0x2], $0x400, $0x38;
	[tilespmem:$0x8600] =	vst v63  }
0x9a: {  	_ =	swait.ge [sflag:s8], $0x400  }
0x9b: {  	[sflag:s8] =	ssyncset.done $0x0  }
0x9c: {  	[sflag:s8] =	ssyncadd.s32 $0xFFFFFC00  }
0x9d: {  	_ =	swait.ge [sflag:s17], $0x2000  }
0x9e: {  	[sflag:s17] =	ssyncset.done $0x0  }
0x9f: {  	[sflag:s17] =	ssyncadd.s32 $0xFFFFE000  }
0xa0: {  	_ =	swait.ge [sflag:s17], $0x2000  }
0xa1: {  	[sflag:s17] =	ssyncset.done $0x0  }
0xa2: {  	[sflag:s17] =	ssyncadd.s32 $0xFFFFE000  }
0xa3: {  	_ =	swait.ge [sflag:s17], $0x2000  }
0xa4: {  	[sflag:s17] =	ssyncset.done $0x0  }
0xa5: {  	[sflag:s17] =	ssyncadd.s32 $0xFFFFE000  }
0xa6: {  	_ =	swait.ge [sflag:s17], $0x2000  }
0xa7: {  	p0 =	sne.s32 s7, $0x1;
	[sflag:s17] =	ssyncset.done $0x0  }
.Ltmp0:
0xa8: {  	[sflag:s17] =	ssyncadd.s32 $0xFFFFE000;
	(pc) =	sbr.rel @p0 .LBB2_1-.Ltmp0, $4  }
0xa9: {  	[hbm4b:s6+s3] =	stream.linear.scatter [tilespmem:s10], [sflag:$0x2], $0x8000, $0x38;
	[tilespmem:$0x8600] =	vst v63  }
0xaa: {  	_ =	swait.ge [sflag:s8], $0x8000  }
0xab: {  	[sflag:s8] =	ssyncset.done $0x0  }
0xac: {  	s7 =	sadd.s32 $0xFFFFFFFF, s7;
	[sflag:s8] =	ssyncadd.s32 $0xFFFF8000  }
0xad: {  	_ =	sfence.sel $0x180000  }
0xae: {  	[bflag:$0x0] =	sbarrier.arrive $0xFFFF  }
0xaf: {  	p0 =	sne.s32 s2, $0x0;
	_ =	strace $0x90000047  }
0xb0: {  	s0 =	sadd.s32 @!p0 $0x100000, s0;
	[bflag:$0x2] =	sbarrier.arrive $0xFFFF  }
0xb1: {  	[sflag:s0] =	ssyncadd.tile.s32 @!p0 $0x1;
	_ =	shalt  }
.Lfunc_end2:
_tile_overlayer_lowered:
.L_overlay_start_2:
0xb2: {  	(tag) =	ssettag $0x2  }
0xb3: {  	s0 =	rddreg [dreg:$0x0];
	s2 =	stileid.u32  }
0xb4: {  	s1 =	rddreg [dreg:$0x1];
	p0 =	sne.s32 s2, $0x0  }
0xb5: {  	s3 =	rddreg [dreg:$0x2];
	[bflag:$0x3] =	sbarrier.arrive $0xFFFF;
	s2 =	simm.s32 @!p0 $0x1C02  }
0xb6: {  	[timem:s3], [sflag:s2] =	dma.local @!p0 [hbm:s0], s1  }
0xb7: {  	s0 =	simm.s32 @!p0 $0x2  }
0xb8: {  	_ =	swait.ge @!p0 [sflag:s0], s1  }
0xb9: {  	s1 =	ssub.s32 @!p0 $0x0, s1;
	[sflag:s0] =	ssyncset.done @!p0 $0x0  }
0xba: {  	[sflag:s0] =	ssyncadd.s32 @!p0 s1  }
0xbb: {  	[bflag:$0x3] =	sbarrier.arrive $0xFFFF  }
0xbc: {  	_ =	shalt  }

</sc_bundles>
